<compile_context>
chip_gen: v7x
topology: tpu7x:2x2x1
jax: 0.10.2.dev20260603
libtpu: 0.0.44.dev20260713+nightly
codegen_flags: <defaults>
</compile_context>

<pallas_src>
import jax
import jax.numpy as jnp
from jax import lax
from jax.experimental import pallas as pl
from jax.experimental.pallas import tpu as pltpu
from jax.experimental.pallas import tpu_sc as plsc

N = 10000
D = 128
H = 256
E = 160000
M = 16384
NCORES = 2
NSUB = 16
NW = NCORES * NSUB
CH = 128
EP = 163840
ECH = EP // CH
NCH1 = ECH // NW
NCH2 = ECH // NSUB
NB = 2
SR = 40
NPAD = 10240
RPT = NPAD // NSUB
OPW = M // NW

_mesh = plsc.VectorSubcoreMesh(core_axis_name="c", subcore_axis_name="s")


def _make_scatter_body(nch, split_by_wid):
    halves = nch // SR

    def body(ha_hbm, hb_hbm, srcr_hbm, dstr_hbm, out_hbm,
             sidx, didx, rows, acc, isem, g0, g1):
        c = lax.axis_index("c")
        s = lax.axis_index("s")
        wid = s * NCORES + c
        rowbase = (wid if split_by_wid else s) * nch

        d_si = pltpu.async_copy(srcr_hbm.at[pl.ds(rowbase, SR)], sidx, isem)
        d_di = pltpu.async_copy(dstr_hbm.at[pl.ds(rowbase, SR)], didx, isem)

        z16 = jnp.zeros((16,), jnp.float32)

        def _zrow(r, _):
            def _zcol(cc, _):
                rows[0, r, pl.ds(cc * 16, 16)] = z16
                return 0
            return lax.fori_loop(0, D // 16, _zcol, 0)

        lax.fori_loop(0, CH, _zrow, 0)

        def _zacc(j, _):
            pltpu.sync_copy(rows.at[0], acc.at[pl.ds(s * RPT + j * CH, CH)])
            return 0

        lax.fori_loop(0, RPT // CH, _zacc, 0)
        d_si.wait()
        d_di.wait()

        gsems = (g0, g1)

        def _gather(j, b, sem):
            srow = sidx.at[j]

            @pl.when(c == 0)
            def _():
                pltpu.async_copy(ha_hbm.at[srow], rows.at[b], sem)

            @pl.when(c == 1)
            def _():
                pltpu.async_copy(hb_hbm.at[srow], rows.at[b], sem)

        def _wait_gather(b):
            pltpu.make_async_copy(ha_hbm.at[pl.ds(0, CH)], rows.at[b],
                                  gsems[b]).wait()

        def _outer(t, _):
            for b in range(NB):
                j = t * NB + b
                _wait_gather(b)
                pltpu.sync_copy(rows.at[b], acc.at[didx.at[j]], add=True)

                @pl.when(j + NB < SR)
                def _():
                    _gather(j + NB, b, gsems[b])
            return 0

        for h in range(halves):
            if h > 0:
                pltpu.sync_copy(srcr_hbm.at[pl.ds(rowbase + h * SR, SR)], sidx)
                pltpu.sync_copy(dstr_hbm.at[pl.ds(rowbase + h * SR, SR)], didx)
            for b in range(NB):
                _gather(b, b, gsems[b])
            if h == 0:
                plsc.subcore_barrier()
            lax.fori_loop(0, SR // NB, _outer, 0)

        plsc.subcore_barrier()
        pltpu.sync_copy(acc.at[pl.ds(s * RPT, RPT)],
                        out_hbm.at[c, pl.ds(s * RPT, RPT)])

    return body


def _make_scatter(nch, split_by_wid):
    return pl.kernel(
        _make_scatter_body(nch, split_by_wid),
        out_type=jax.ShapeDtypeStruct((NCORES, NPAD, D), jnp.float32),
        mesh=_mesh,
        scratch_types=[
            pltpu.VMEM((SR, CH), jnp.int32),
            pltpu.VMEM((SR, CH), jnp.int32),
            pltpu.VMEM((NB, CH, D), jnp.float32),
            pltpu.VMEM_SHARED((NPAD, D), jnp.float32),
            pltpu.SemaphoreType.DMA,
            pltpu.SemaphoreType.DMA,
            pltpu.SemaphoreType.DMA,
        ],
    )


_scatter1 = _make_scatter(NCH1, True)
_scatter2 = _make_scatter(NCH2, False)


def _head_body(g_hbm, m0_hbm, m1_hbm, out_hbm, gv, m0v, m1v, ov):
    c = lax.axis_index("c")
    s = lax.axis_index("s")
    wid = s * NCORES + c
    base = wid * OPW
    pltpu.sync_copy(g_hbm, gv)
    pltpu.sync_copy(m0_hbm.at[pl.ds(base, OPW)], m0v)
    pltpu.sync_copy(m1_hbm.at[pl.ds(base, OPW)], m1v)

    def _grp(k, _):
        i0 = m0v[pl.ds(k * 16, 16)]
        i1 = m1v[pl.ds(k * 16, 16)]
        v0 = plsc.load_gather(gv, [i0 * 2])
        v1 = plsc.load_gather(gv, [i1 * 2 + 1])
        x = v0 + v1
        ov[pl.ds(k * 16, 16)] = 1.0 / (1.0 + jnp.exp(-x))
        return 0

    lax.fori_loop(0, OPW // 16, _grp, 0)
    pltpu.sync_copy(ov, out_hbm.at[pl.ds(base, OPW)])


_head = pl.kernel(
    _head_body,
    out_type=jax.ShapeDtypeStruct((M,), jnp.float32),
    mesh=_mesh,
    compiler_params=pltpu.CompilerParams(needs_layout_passes=False),
    scratch_types=[
        pltpu.VMEM((2 * N,), jnp.float32),
        pltpu.VMEM((OPW,), jnp.int32),
        pltpu.VMEM((OPW,), jnp.int32),
        pltpu.VMEM((OPW,), jnp.float32),
    ],
)

BLK = 1000


def _mm1_body(p_ref, xp_ref, wrel_ref, wroot_ref, ba_ref, ha_ref, hb_ref):
    agg = p_ref[0] + p_ref[1]
    hp = jnp.dot(agg, wrel_ref[...], preferred_element_type=jnp.float32)
    hp = hp + jnp.dot(xp_ref[...], wroot_ref[...],
                      preferred_element_type=jnp.float32)
    hp = jnp.maximum(hp + ba_ref[...], 0.0)
    ha_ref[...] = hp[:, :D]
    hb_ref[...] = hp[:, D:]


def _mm1(P, xp, wrel, wroot, ba):
    grid = (N // BLK,)
    full = lambda i: (0, 0)
    return pl.pallas_call(
        _mm1_body,
        grid=grid,
        in_specs=[
            pl.BlockSpec((NCORES, BLK, D), lambda i: (0, i, 0)),
            pl.BlockSpec((BLK, D), lambda i: (i, 0)),
            pl.BlockSpec((D, H), full),
            pl.BlockSpec((D, H), full),
            pl.BlockSpec((1, H), full),
        ],
        out_specs=[
            pl.BlockSpec((BLK, D), lambda i: (i, 0)),
            pl.BlockSpec((BLK, D), lambda i: (i, 0)),
        ],
        out_shape=[
            jax.ShapeDtypeStruct((N, D), jnp.float32),
            jax.ShapeDtypeStruct((N, D), jnp.float32),
        ],
    )(P, xp, wrel, wroot, ba)


def _mm2_body(q_ref, ha_ref, hb_ref, wra_ref, wrb_ref, wta_ref, wtb_ref,
              bb_ref, wl_ref, gb_ref, g_ref):
    h2 = jnp.dot(q_ref[0], wra_ref[...], preferred_element_type=jnp.float32)
    h2 = h2 + jnp.dot(q_ref[1], wrb_ref[...], preferred_element_type=jnp.float32)
    h2 = h2 + jnp.dot(ha_ref[...], wta_ref[...], preferred_element_type=jnp.float32)
    h2 = h2 + jnp.dot(hb_ref[...], wtb_ref[...], preferred_element_type=jnp.float32)
    h2 = h2 + bb_ref[...]
    g_ref[...] = jnp.dot(h2, wl_ref[...],
                         preferred_element_type=jnp.float32) + gb_ref[...]


def _mm2(Q, ha, hb, wra, wrb, wta, wtb, bb, wl, gb):
    grid = (N // BLK,)
    full = lambda i: (0, 0)
    return pl.pallas_call(
        _mm2_body,
        grid=grid,
        in_specs=[
            pl.BlockSpec((NCORES, BLK, D), lambda i: (0, i, 0)),
            pl.BlockSpec((BLK, D), lambda i: (i, 0)),
            pl.BlockSpec((BLK, D), lambda i: (i, 0)),
            pl.BlockSpec((D, D), full),
            pl.BlockSpec((D, D), full),
            pl.BlockSpec((D, D), full),
            pl.BlockSpec((D, D), full),
            pl.BlockSpec((1, D), full),
            pl.BlockSpec((D, 2), full),
            pl.BlockSpec((1, 2), full),
        ],
        out_specs=pl.BlockSpec((BLK, 2), lambda i: (i, 0)),
        out_shape=jax.ShapeDtypeStruct((N, 2), jnp.float32),
    )(Q, ha, hb, wra, wrb, wta, wtb, bb, wl, gb)


def kernel(x_protein, x_class, ei_pos, ei_neg, ei_link, ei_ppi, mask,
           W_a_pos_rel, b_a_pos, W_a_pos_root,
           W_a_neg_rel, b_a_neg, W_a_neg_root,
           W_a_link_rel, b_a_link, W_a_link_root,
           W_a_ppi_rel, b_a_ppi, W_a_ppi_root,
           W_b_pos_rel, b_b_pos, W_b_pos_root,
           W_b_neg_rel, b_b_neg, W_b_neg_root,
           W_b_link_rel, b_b_link, W_b_link_root,
           W_b_ppi_rel, b_b_ppi, W_b_ppi_root,
           W_lin, b_lin):
    npd = EP - E
    fill = jnp.arange(npd, dtype=jnp.int32)
    src = jnp.concatenate([ei_ppi[0], (fill * 7) % N]).reshape(ECH, CH)
    dst = jnp.concatenate([ei_ppi[1], N + (fill % (NPAD - N))]).reshape(ECH, CH)
    P = _scatter1(x_protein, x_protein, src, dst)
    ha, hb = _mm1(P, x_protein, W_a_ppi_rel, W_a_ppi_root,
                  b_a_ppi.reshape(1, H))
    Q = _scatter2(ha, hb, src, dst)
    wl = jnp.concatenate([W_lin[:D], W_lin[D:]], axis=1)
    gb = jnp.stack([b_lin[0], jnp.float32(0.0)]).reshape(1, 2)
    G = _mm2(Q, ha, hb, W_b_ppi_rel[:D], W_b_ppi_rel[D:],
             W_b_ppi_root[:D], W_b_ppi_root[D:],
             b_b_ppi.reshape(1, D), wl, gb)
    mt = mask.T
    out = _head(G.reshape(-1), mt[0], mt[1])
    return out.reshape(M, 1)

# --- scband reference (transcript-rebuilt; emitter-appended) ---
"""Pipeline reference for scband-hetero-gcn-pyg-17119739641951 (READ-ONLY COPY).

The authoritative reference and input builder live on the scoring server;
editing this copy changes nothing except your own understanding.
"""

import jax, jax.numpy as jnp
import numpy as np

NP_ = 10000
NC = 2000
NF = 128
NH = 256
E_ANN = 160000
E_LINK = 32000
E_PPI = 160000
M = 16384
REL_A = ["a_pos", "a_neg", "a_link", "a_ppi"]
REL_B = ["b_pos", "b_neg", "b_link", "b_ppi"]


def graph_conv(x_src, x_dst, ei, W_rel, b_rel, W_root, num_dst):
    # PyG GraphConv with aggr='add': lin_rel(sum_j x_src[src_j]) + lin_root(x_dst)
    msg = jnp.take(x_src, ei[0], axis=0)
    agg = jnp.zeros((num_dst, x_src.shape[1]), x_src.dtype).at[ei[1]].add(msg)
    return agg @ W_rel + b_rel + x_dst @ W_root


def setup_inputs(seed: int = 0):
    key = jax.random.key(seed)
    ks = jax.random.split(key, 64)
    inp = {}
    inp["x_protein"] = jax.random.normal(ks[0], (NP_, NF), jnp.float32)
    inp["x_class"] = jax.random.normal(ks[1], (NC, NF), jnp.float32)
    inp["ei_pos"] = jax.random.randint(ks[2], (2, E_ANN), 0, NC, dtype=jnp.int32)
    inp["ei_neg"] = jax.random.randint(ks[3], (2, E_ANN), 0, NC, dtype=jnp.int32)
    inp["ei_link"] = jax.random.randint(ks[4], (2, E_LINK), 0, NC, dtype=jnp.int32)
    inp["ei_ppi"] = jax.random.randint(ks[5], (2, E_PPI), 0, NP_, dtype=jnp.int32)
    inp["mask"] = jax.random.randint(ks[6], (M, 2), 0, NP_, dtype=jnp.int32)
    i = 7
    for name in REL_A:
        inp["W_" + name + "_rel"] = jax.random.normal(ks[i], (NF, NH), jnp.float32) * 0.05; i += 1
        inp["b_" + name] = jnp.zeros((NH,), jnp.float32)
        inp["W_" + name + "_root"] = jax.random.normal(ks[i], (NF, NH), jnp.float32) * 0.05; i += 1
    for name in REL_B:
        inp["W_" + name + "_rel"] = jax.random.normal(ks[i], (NH, NF), jnp.float32) * 0.05; i += 1
        inp["b_" + name] = jnp.zeros((NF,), jnp.float32)
        inp["W_" + name + "_root"] = jax.random.normal(ks[i], (NH, NF), jnp.float32) * 0.05; i += 1
    inp["W_lin"] = jax.random.normal(ks[i], (2 * NF, 1), jnp.float32) * 0.05
    inp["b_lin"] = jnp.zeros((1,), jnp.float32)
    return inp


def reference(x_protein, x_class, ei_pos, ei_neg, ei_link, ei_ppi, mask,
              W_a_pos_rel, b_a_pos, W_a_pos_root,
              W_a_neg_rel, b_a_neg, W_a_neg_root,
              W_a_link_rel, b_a_link, W_a_link_root,
              W_a_ppi_rel, b_a_ppi, W_a_ppi_root,
              W_b_pos_rel, b_b_pos, W_b_pos_root,
              W_b_neg_rel, b_b_neg, W_b_neg_root,
              W_b_link_rel, b_b_link, W_b_link_root,
              W_b_ppi_rel, b_b_ppi, W_b_ppi_root,
              W_lin, b_lin):
    kw = dict(locals())
    xp = kw["x_protein"]
    xc = kw["x_class"]
    # HeteroConv layer A: dst 'class' sums 3 relations, dst 'protein' gets ppi
    hc = graph_conv(xp, xc, kw["ei_pos"], kw["W_a_pos_rel"], kw["b_a_pos"], kw["W_a_pos_root"], NC)
    hc = hc + graph_conv(xp, xc, kw["ei_neg"], kw["W_a_neg_rel"], kw["b_a_neg"], kw["W_a_neg_root"], NC)
    hc = hc + graph_conv(xc, xc, kw["ei_link"], kw["W_a_link_rel"], kw["b_a_link"], kw["W_a_link_root"], NC)
    hp = graph_conv(xp, xp, kw["ei_ppi"], kw["W_a_ppi_rel"], kw["b_a_ppi"], kw["W_a_ppi_root"], NP_)
    # relu (dropout p=0 is identity; double relu in original is idempotent)
    hc = jax.nn.relu(hc)
    hp = jax.nn.relu(hp)
    # HeteroConv layer B
    h2c = graph_conv(hp, hc, kw["ei_pos"], kw["W_b_pos_rel"], kw["b_b_pos"], kw["W_b_pos_root"], NC)
    h2c = h2c + graph_conv(hp, hc, kw["ei_neg"], kw["W_b_neg_rel"], kw["b_b_neg"], kw["W_b_neg_root"], NC)
    h2c = h2c + graph_conv(hc, hc, kw["ei_link"], kw["W_b_link_rel"], kw["b_b_link"], kw["W_b_link_root"], NC)
    h2p = graph_conv(hp, hp, kw["ei_ppi"], kw["W_b_ppi_rel"], kw["b_b_ppi"], kw["W_b_ppi_root"], NP_)
    mt = kw["mask"].T
    p1 = jax.lax.stop_gradient(jnp.take(h2p, mt[0], axis=0))
    p2 = jax.lax.stop_gradient(jnp.take(h2p, mt[1], axis=0))
    h = jnp.concatenate([p1, p2], axis=1)
    return jax.nn.sigmoid(h @ kw["W_lin"] + kw["b_lin"])

if __name__ == "__main__":
    import jax
    _d = setup_inputs()
    print(jax.jit(kernel)(*tuple(_d.values())))

</pallas_src>

<mosaic_0001>
#map = affine_map<(d0, d1) -> (0, 0)>
#map1 = affine_map<(d0, d1) -> (0, 0, 0)>
module attributes {stable_mosaic.version = 14 : i64} {
  func.func @body(%arg0: i32, %arg1: i32, %arg2: memref<10000x128xf32, #tpu.memory_space<hbm>>, %arg3: memref<10000x128xf32, #tpu.memory_space<hbm>>, %arg4: memref<1280x128xi32, #tpu.memory_space<hbm>>, %arg5: memref<1280x128xi32, #tpu.memory_space<hbm>>, %arg6: memref<2x10240x128xf32, #tpu.memory_space<hbm>>, %arg7: memref<40x128xi32, #tpu.memory_space<vmem>>, %arg8: memref<40x128xi32, #tpu.memory_space<vmem>>, %arg9: memref<2x128x128xf32, #tpu.memory_space<vmem>>, %arg10: memref<10240x128xf32, #tpu.memory_space<vmem_shared>>, %arg11: memref<!tpu.dma_semaphore, #tpu.memory_space<semaphore_mem>>, %arg12: memref<!tpu.dma_semaphore, #tpu.memory_space<semaphore_mem>>, %arg13: memref<!tpu.dma_semaphore, #tpu.memory_space<semaphore_mem>>) attributes {dimension_semantics = [#tpu.dimension_semantics<core_parallel>, #tpu.dimension_semantics<subcore_parallel>], iteration_bounds = array<i64: 2, 16>, scalar_prefetch = 0 : i64, scratch_operands = 7 : i64, tpu.core_type = #tpu.core_type<sc_vector_subcore>, window_params = [{transform_indices = #map}, {transform_indices = #map}, {transform_indices = #map}, {transform_indices = #map}, {transform_indices = #map1}]} {
    %mul3A = arith.constant 2 : i32
    %mul3A_0 = arith.muli %arg1, %mul3A : i32
    %add3A = arith.addi %mul3A_0, %arg0 : i32
    %mul3A_1 = arith.constant 40 : i32
    %mul3A_2 = arith.muli %add3A, %mul3A_1 : i32
    %dma_start3A = arith.constant 0 : i32
    %dma_start3A_3 = tpu.memref_slice %arg4[%mul3A_2, %dma_start3A] : memref<1280x128xi32, #tpu.memory_space<hbm>> -> memref<40x128xi32, #tpu.memory_space<hbm>>
    %dma_start3A_4 = arith.constant 0 : i32
    %dma_start3A_5 = tpu.memref_slice %arg4[%mul3A_2, %dma_start3A_4] : memref<1280x128xi32, #tpu.memory_space<hbm>> -> memref<40x128xi32, #tpu.memory_space<hbm>>
    tpu.enqueue_dma source(%dma_start3A_5 : memref<40x128xi32, #tpu.memory_space<hbm>>) target(%arg7 : memref<40x128xi32, #tpu.memory_space<vmem>>) target_semaphore(%arg11 : memref<!tpu.dma_semaphore, #tpu.memory_space<semaphore_mem>>)
    %dma_start3A_6 = arith.constant 0 : i32
    %dma_start3A_7 = tpu.memref_slice %arg5[%mul3A_2, %dma_start3A_6] : memref<1280x128xi32, #tpu.memory_space<hbm>> -> memref<40x128xi32, #tpu.memory_space<hbm>>
    %dma_start3A_8 = arith.constant 0 : i32
    %dma_start3A_9 = tpu.memref_slice %arg5[%mul3A_2, %dma_start3A_8] : memref<1280x128xi32, #tpu.memory_space<hbm>> -> memref<40x128xi32, #tpu.memory_space<hbm>>
    tpu.enqueue_dma source(%dma_start3A_9 : memref<40x128xi32, #tpu.memory_space<hbm>>) target(%arg8 : memref<40x128xi32, #tpu.memory_space<vmem>>) target_semaphore(%arg11 : memref<!tpu.dma_semaphore, #tpu.memory_space<semaphore_mem>>)
    %broadcast_in_dim3A = arith.constant 0.000000e+00 : f32
    %broadcast_in_dim3A_10 = vector.broadcast %broadcast_in_dim3A : f32 to vector<16xf32>
    %scan3A = arith.constant 0 : i32
    %scan3A_11 = arith.constant 0 : i32
    %scan3A_12 = arith.constant 128 : i32
    %scan3A_13 = arith.addi %scan3A_11, %scan3A_12 : i32
    %scan3A_14 = arith.constant 1 : i32
    %scan3A_15 = scf.for %scan3A_64 = %scan3A_11 to %scan3A_13 step %scan3A_14 iter_args(%scan3A_65 = %scan3A) -> (i32)  : i32 {
      %scan3A_66 = arith.constant 0 : i32
      %scan3A_67 = arith.constant 0 : i32
      %scan3A_68 = arith.constant 8 : i32
      %scan3A_69 = arith.addi %scan3A_67, %scan3A_68 : i32
      %scan3A_70 = arith.constant 1 : i32
      %scan3A_71 = scf.for %scan3A_73 = %scan3A_67 to %scan3A_69 step %scan3A_70 iter_args(%scan3A_74 = %scan3A_66) -> (i32)  : i32 {
        %mul3A_75 = arith.constant 16 : i32
        %mul3A_76 = arith.muli %scan3A_73, %mul3A_75 : i32
        %swap3A = arith.constant 0 : i32
        %swap3A_77 = arith.index_cast %swap3A : i32 to index
        %swap3A_78 = arith.index_cast %scan3A_64 : i32 to index
        %swap3A_79 = arith.index_cast %mul3A_76 : i32 to index
        %swap3A_80 = tpu.vector_load %arg9[%swap3A_77, %swap3A_78, %swap3A_79] {strides = array<i32>} : memref<2x128x128xf32, #tpu.memory_space<vmem>>, vector<1x1x16xf32>,
        %swap3A_81 = vector.shape_cast %swap3A_80 : vector<1x1x16xf32> to vector<16xf32>
        %swap3A_82 = vector.shape_cast %broadcast_in_dim3A_10 : vector<16xf32> to vector<1x1x16xf32>
        tpu.vector_store %arg9[%swap3A_77, %swap3A_78, %swap3A_79], %swap3A_82 {strides = array<i32>} : memref<2x128x128xf32, #tpu.memory_space<vmem>>, vector<1x1x16xf32>,
        %scan3A_83 = arith.constant 0 : i32
        scf.yield %scan3A_83 : i32
      }
      %scan3A_72 = arith.constant 8 : i32
      scf.yield %scan3A_71 : i32
    }
    %scan3A_16 = arith.constant 128 : i32
    %scan3A_17 = arith.constant 0 : i32
    %scan3A_18 = arith.constant 0 : i32
    %scan3A_19 = arith.constant 5 : i32
    %scan3A_20 = arith.addi %scan3A_18, %scan3A_19 : i32
    %scan3A_21 = arith.constant 1 : i32
    %scan3A_22 = scf.for %scan3A_64 = %scan3A_18 to %scan3A_20 step %scan3A_21 iter_args(%scan3A_65 = %scan3A_17) -> (i32)  : i32 {
      %mul3A_66 = arith.constant 640 : i32
      %mul3A_67 = arith.muli %arg1, %mul3A_66 : i32
      %mul3A_68 = arith.constant 128 : i32
      %mul3A_69 = arith.muli %scan3A_64, %mul3A_68 : i32
      %add3A_70 = arith.addi %mul3A_67, %mul3A_69 : i32
      %run_scoped3A = arith.constant 0 : i32
      "tpu.region"() ({
        %run_scoped3A_72 = tpu.sem_alloc : memref<!tpu.dma_semaphore, #tpu.memory_space<semaphore_mem>>
        %dma_start3A_73 = arith.constant 0 : i32
        %dma_start3A_74 = arith.constant 0 : i32
        %dma_start3A_75 = tpu.memref_slice %arg9[%run_scoped3A, %dma_start3A_73, %dma_start3A_74] : memref<2x128x128xf32, #tpu.memory_space<vmem>> -> memref<1x128x128xf32, #tpu.memory_space<vmem>>
        %dma_start3A_76 = tpu.memref_squeeze %dma_start3A_75 : memref<1x128x128xf32, #tpu.memory_space<vmem>> -> memref<128x128xf32, #tpu.memory_space<vmem>>
        %dma_start3A_77 = arith.constant 0 : i32
        %dma_start3A_78 = tpu.memref_slice %arg10[%add3A_70, %dma_start3A_77] : memref<10240x128xf32, #tpu.memory_space<vmem_shared>> -> memref<128x128xf32, #tpu.memory_space<vmem_shared>>
        %dma_start3A_79 = arith.constant 0 : i32
        %dma_start3A_80 = tpu.memref_slice %arg10[%add3A_70, %dma_start3A_79] : memref<10240x128xf32, #tpu.memory_space<vmem_shared>> -> memref<128x128xf32, #tpu.memory_space<vmem_shared>>
        %dma_start3A_81 = arith.constant 0 : i32
        %dma_start3A_82 = arith.constant 0 : i32
        %dma_start3A_83 = tpu.memref_slice %arg9[%run_scoped3A, %dma_start3A_81, %dma_start3A_82] : memref<2x128x128xf32, #tpu.memory_space<vmem>> -> memref<1x128x128xf32, #tpu.memory_space<vmem>>
        %dma_start3A_84 = tpu.memref_squeeze %dma_start3A_83 : memref<1x128x128xf32, #tpu.memory_space<vmem>> -> memref<128x128xf32, #tpu.memory_space<vmem>>
        tpu.enqueue_dma source(%dma_start3A_84 : memref<128x128xf32, #tpu.memory_space<vmem>>) target(%dma_start3A_80 : memref<128x128xf32, #tpu.memory_space<vmem_shared>>) target_semaphore(%run_scoped3A_72 : memref<!tpu.dma_semaphore, #tpu.memory_space<semaphore_mem>>)
        %dma_wait3A_85 = arith.constant 0 : i32
        %dma_wait3A_86 = arith.constant 0 : i32
        %dma_wait3A_87 = tpu.memref_slice %arg9[%run_scoped3A, %dma_wait3A_85, %dma_wait3A_86] : memref<2x128x128xf32, #tpu.memory_space<vmem>> -> memref<1x128x128xf32, #tpu.memory_space<vmem>>
        %dma_wait3A_88 = tpu.memref_squeeze %dma_wait3A_87 : memref<1x128x128xf32, #tpu.memory_space<vmem>> -> memref<128x128xf32, #tpu.memory_space<vmem>>
        %dma_wait3A_89 = arith.constant 0 : i32
        %dma_wait3A_90 = tpu.memref_slice %arg10[%add3A_70, %dma_wait3A_89] : memref<10240x128xf32, #tpu.memory_space<vmem_shared>> -> memref<128x128xf32, #tpu.memory_space<vmem_shared>>
        %dma_wait3A_91 = arith.constant 0 : i32
        %dma_wait3A_92 = tpu.memref_slice %arg10[%add3A_70, %dma_wait3A_91] : memref<10240x128xf32, #tpu.memory_space<vmem_shared>> -> memref<128x128xf32, #tpu.memory_space<vmem_shared>>
        %dma_wait3A_93 = arith.constant 0 : i32
        %dma_wait3A_94 = arith.constant 0 : i32
        %dma_wait3A_95 = tpu.memref_slice %arg9[%run_scoped3A, %dma_wait3A_93, %dma_wait3A_94] : memref<2x128x128xf32, #tpu.memory_space<vmem>> -> memref<1x128x128xf32, #tpu.memory_space<vmem>>
        %dma_wait3A_96 = tpu.memref_squeeze %dma_wait3A_95 : memref<1x128x128xf32, #tpu.memory_space<vmem>> -> memref<128x128xf32, #tpu.memory_space<vmem>>
        tpu.wait_dma2 semaphore(%run_scoped3A_72 : memref<!tpu.dma_semaphore, #tpu.memory_space<semaphore_mem>>) src(%dma_wait3A_96 : memref<128x128xf32, #tpu.memory_space<vmem>>) dst(%dma_wait3A_92 : memref<128x128xf32, #tpu.memory_space<vmem_shared>>)
        tpu.yield
      }) : () -> ()
      %scan3A_71 = arith.constant 0 : i32
      scf.yield %scan3A_71 : i32
    }
    %scan3A_23 = arith.constant 5 : i32
    %dma_wait3A = arith.constant 0 : i32
    %dma_wait3A_24 = tpu.memref_slice %arg4[%mul3A_2, %dma_wait3A] : memref<1280x128xi32, #tpu.memory_space<hbm>> -> memref<40x128xi32, #tpu.memory_space<hbm>>
    %dma_wait3A_25 = arith.constant 0 : i32
    %dma_wait3A_26 = tpu.memref_slice %arg4[%mul3A_2, %dma_wait3A_25] : memref<1280x128xi32, #tpu.memory_space<hbm>> -> memref<40x128xi32, #tpu.memory_space<hbm>>
    tpu.wait_dma2 semaphore(%arg11 : memref<!tpu.dma_semaphore, #tpu.memory_space<semaphore_mem>>) src(%dma_wait3A_26 : memref<40x128xi32, #tpu.memory_space<hbm>>) dst(%arg7 : memref<40x128xi32, #tpu.memory_space<vmem>>)
    %dma_wait3A_27 = arith.constant 0 : i32
    %dma_wait3A_28 = tpu.memref_slice %arg5[%mul3A_2, %dma_wait3A_27] : memref<1280x128xi32, #tpu.memory_space<hbm>> -> memref<40x128xi32, #tpu.memory_space<hbm>>
    %dma_wait3A_29 = arith.constant 0 : i32
    %dma_wait3A_30 = tpu.memref_slice %arg5[%mul3A_2, %dma_wait3A_29] : memref<1280x128xi32, #tpu.memory_space<hbm>> -> memref<40x128xi32, #tpu.memory_space<hbm>>
    tpu.wait_dma2 semaphore(%arg11 : memref<!tpu.dma_semaphore, #tpu.memory_space<semaphore_mem>>) src(%dma_wait3A_30 : memref<40x128xi32, #tpu.memory_space<hbm>>) dst(%arg8 : memref<40x128xi32, #tpu.memory_space<vmem>>)
    %eq3A = arith.constant 0 : i32
    %eq3A_31 = arith.cmpi eq, %arg0, %eq3A : i32
    %convert_element_type3A = arith.extui %eq3A_31 : i1 to i32
    %cond3A = arith.constant 0 : i32
    %cond3A_32 = arith.constant 0 : i32
    %cond3A_33 = arith.cmpi ne, %convert_element_type3A, %cond3A_32 : i32
    scf.if %cond3A_33 {
      %dma_start3A_64 = arith.constant 0 : i32
      %dma_start3A_65 = arith.constant 0 : i32
      %dma_start3A_66 = arith.constant 0 : i32
      %dma_start3A_67 = tpu.memref_slice %arg9[%dma_start3A_64, %dma_start3A_65, %dma_start3A_66] : memref<2x128x128xf32, #tpu.memory_space<vmem>> -> memref<1x128x128xf32, #tpu.memory_space<vmem>>
      %dma_start3A_68 = tpu.memref_squeeze %dma_start3A_67 : memref<1x128x128xf32, #tpu.memory_space<vmem>> -> memref<128x128xf32, #tpu.memory_space<vmem>>
      %dma_start3A_69 = arith.constant 0 : i32
      %dma_start3A_70 = tpu.memref_slice %arg7[%cond3A, %dma_start3A_69] : memref<40x128xi32, #tpu.memory_space<vmem>> -> memref<1x128xi32, #tpu.memory_space<vmem>>
      %dma_start3A_71 = tpu.memref_squeeze %dma_start3A_70 : memref<1x128xi32, #tpu.memory_space<vmem>> -> memref<128xi32, #tpu.memory_space<vmem>>
      %dma_start3A_72 = arith.constant 0 : i32
      %dma_start3A_73 = arith.constant 0 : i32
      %dma_start3A_74 = tpu.memref_slice %arg2[%dma_start3A_72, %dma_start3A_73] : memref<10000x128xf32, #tpu.memory_space<hbm>> -> memref<10000x128xf32, #tpu.memory_space<hbm>>
      tpu.enqueue_indirect_dma source(%dma_start3A_74 : memref<10000x128xf32, #tpu.memory_space<hbm>>) target(%dma_start3A_68 : memref<128x128xf32, #tpu.memory_space<vmem>>) offsets(%dma_start3A_71 : memref<128xi32, #tpu.memory_space<vmem>>) semaphore(%arg12 : memref<!tpu.dma_semaphore, #tpu.memory_space<semaphore_mem>>)
    } else {
    }
    %eq3A_34 = arith.constant 1 : i32
    %eq3A_35 = arith.cmpi eq, %arg0, %eq3A_34 : i32
    %convert_element_type3A_36 = arith.extui %eq3A_35 : i1 to i32
    %cond3A_37 = arith.constant 0 : i32
    %cond3A_38 = arith.constant 0 : i32
    %cond3A_39 = arith.cmpi ne, %convert_element_type3A_36, %cond3A_38 : i32
    scf.if %cond3A_39 {
      %dma_start3A_64 = arith.constant 0 : i32
      %dma_start3A_65 = arith.constant 0 : i32
      %dma_start3A_66 = arith.constant 0 : i32
      %dma_start3A_67 = tpu.memref_slice %arg9[%dma_start3A_64, %dma_start3A_65, %dma_start3A_66] : memref<2x128x128xf32, #tpu.memory_space<vmem>> -> memref<1x128x128xf32, #tpu.memory_space<vmem>>
      %dma_start3A_68 = tpu.memref_squeeze %dma_start3A_67 : memref<1x128x128xf32, #tpu.memory_space<vmem>> -> memref<128x128xf32, #tpu.memory_space<vmem>>
      %dma_start3A_69 = arith.constant 0 : i32
      %dma_start3A_70 = tpu.memref_slice %arg7[%cond3A_37, %dma_start3A_69] : memref<40x128xi32, #tpu.memory_space<vmem>> -> memref<1x128xi32, #tpu.memory_space<vmem>>
      %dma_start3A_71 = tpu.memref_squeeze %dma_start3A_70 : memref<1x128xi32, #tpu.memory_space<vmem>> -> memref<128xi32, #tpu.memory_space<vmem>>
      %dma_start3A_72 = arith.constant 0 : i32
      %dma_start3A_73 = arith.constant 0 : i32
      %dma_start3A_74 = tpu.memref_slice %arg3[%dma_start3A_72, %dma_start3A_73] : memref<10000x128xf32, #tpu.memory_space<hbm>> -> memref<10000x128xf32, #tpu.memory_space<hbm>>
      tpu.enqueue_indirect_dma source(%dma_start3A_74 : memref<10000x128xf32, #tpu.memory_space<hbm>>) target(%dma_start3A_68 : memref<128x128xf32, #tpu.memory_space<vmem>>) offsets(%dma_start3A_71 : memref<128xi32, #tpu.memory_space<vmem>>) semaphore(%arg12 : memref<!tpu.dma_semaphore, #tpu.memory_space<semaphore_mem>>)
    } else {
    }
    %eq3A_40 = arith.constant 0 : i32
    %eq3A_41 = arith.cmpi eq, %arg0, %eq3A_40 : i32
    %convert_element_type3A_42 = arith.extui %eq3A_41 : i1 to i32
    %cond3A_43 = arith.constant 1 : i32
    %cond3A_44 = arith.constant 0 : i32
    %cond3A_45 = arith.cmpi ne, %convert_element_type3A_42, %cond3A_44 : i32
    scf.if %cond3A_45 {
      %dma_start3A_64 = arith.constant 1 : i32
      %dma_start3A_65 = arith.constant 0 : i32
      %dma_start3A_66 = arith.constant 0 : i32
      %dma_start3A_67 = tpu.memref_slice %arg9[%dma_start3A_64, %dma_start3A_65, %dma_start3A_66] : memref<2x128x128xf32, #tpu.memory_space<vmem>> -> memref<1x128x128xf32, #tpu.memory_space<vmem>>
      %dma_start3A_68 = tpu.memref_squeeze %dma_start3A_67 : memref<1x128x128xf32, #tpu.memory_space<vmem>> -> memref<128x128xf32, #tpu.memory_space<vmem>>
      %dma_start3A_69 = arith.constant 0 : i32
      %dma_start3A_70 = tpu.memref_slice %arg7[%cond3A_43, %dma_start3A_69] : memref<40x128xi32, #tpu.memory_space<vmem>> -> memref<1x128xi32, #tpu.memory_space<vmem>>
      %dma_start3A_71 = tpu.memref_squeeze %dma_start3A_70 : memref<1x128xi32, #tpu.memory_space<vmem>> -> memref<128xi32, #tpu.memory_space<vmem>>
      %dma_start3A_72 = arith.constant 0 : i32
      %dma_start3A_73 = arith.constant 0 : i32
      %dma_start3A_74 = tpu.memref_slice %arg2[%dma_start3A_72, %dma_start3A_73] : memref<10000x128xf32, #tpu.memory_space<hbm>> -> memref<10000x128xf32, #tpu.memory_space<hbm>>
      tpu.enqueue_indirect_dma source(%dma_start3A_74 : memref<10000x128xf32, #tpu.memory_space<hbm>>) target(%dma_start3A_68 : memref<128x128xf32, #tpu.memory_space<vmem>>) offsets(%dma_start3A_71 : memref<128xi32, #tpu.memory_space<vmem>>) semaphore(%arg13 : memref<!tpu.dma_semaphore, #tpu.memory_space<semaphore_mem>>)
    } else {
    }
    %eq3A_46 = arith.constant 1 : i32
    %eq3A_47 = arith.cmpi eq, %arg0, %eq3A_46 : i32
    %convert_element_type3A_48 = arith.extui %eq3A_47 : i1 to i32
    %cond3A_49 = arith.constant 1 : i32
    %cond3A_50 = arith.constant 0 : i32
    %cond3A_51 = arith.cmpi ne, %convert_element_type3A_48, %cond3A_50 : i32
    scf.if %cond3A_51 {
      %dma_start3A_64 = arith.constant 1 : i32
      %dma_start3A_65 = arith.constant 0 : i32
      %dma_start3A_66 = arith.constant 0 : i32
      %dma_start3A_67 = tpu.memref_slice %arg9[%dma_start3A_64, %dma_start3A_65, %dma_start3A_66] : memref<2x128x128xf32, #tpu.memory_space<vmem>> -> memref<1x128x128xf32, #tpu.memory_space<vmem>>
      %dma_start3A_68 = tpu.memref_squeeze %dma_start3A_67 : memref<1x128x128xf32, #tpu.memory_space<vmem>> -> memref<128x128xf32, #tpu.memory_space<vmem>>
      %dma_start3A_69 = arith.constant 0 : i32
      %dma_start3A_70 = tpu.memref_slice %arg7[%cond3A_49, %dma_start3A_69] : memref<40x128xi32, #tpu.memory_space<vmem>> -> memref<1x128xi32, #tpu.memory_space<vmem>>
      %dma_start3A_71 = tpu.memref_squeeze %dma_start3A_70 : memref<1x128xi32, #tpu.memory_space<vmem>> -> memref<128xi32, #tpu.memory_space<vmem>>
      %dma_start3A_72 = arith.constant 0 : i32
      %dma_start3A_73 = arith.constant 0 : i32
      %dma_start3A_74 = tpu.memref_slice %arg3[%dma_start3A_72, %dma_start3A_73] : memref<10000x128xf32, #tpu.memory_space<hbm>> -> memref<10000x128xf32, #tpu.memory_space<hbm>>
      tpu.enqueue_indirect_dma source(%dma_start3A_74 : memref<10000x128xf32, #tpu.memory_space<hbm>>) target(%dma_start3A_68 : memref<128x128xf32, #tpu.memory_space<vmem>>) offsets(%dma_start3A_71 : memref<128xi32, #tpu.memory_space<vmem>>) semaphore(%arg13 : memref<!tpu.dma_semaphore, #tpu.memory_space<semaphore_mem>>)
    } else {
    }
    %barrier3A = arith.constant 0 : index
    tpu.barrier barrier_id(%barrier3A)
    %scan3A_52 = arith.constant 0 : i32
    %scan3A_53 = arith.constant 0 : i32
    %scan3A_54 = arith.constant 20 : i32
    %scan3A_55 = arith.addi %scan3A_53, %scan3A_54 : i32
    %scan3A_56 = arith.constant 1 : i32
    %scan3A_57 = scf.for %scan3A_64 = %scan3A_53 to %scan3A_55 step %scan3A_56 iter_args(%scan3A_65 = %scan3A_52) -> (i32)  : i32 {
      %mul3A_66 = arith.constant 2 : i32
      %mul3A_67 = arith.muli %scan3A_64, %mul3A_66 : i32
      %add3A_68 = arith.constant 0 : i32
      %add3A_69 = arith.addi %mul3A_67, %add3A_68 : i32
      %dma_wait3A_70 = arith.constant 0 : i32
      %dma_wait3A_71 = arith.constant 0 : i32
      %dma_wait3A_72 = arith.constant 0 : i32
      %dma_wait3A_73 = tpu.memref_slice %arg9[%dma_wait3A_70, %dma_wait3A_71, %dma_wait3A_72] : memref<2x128x128xf32, #tpu.memory_space<vmem>> -> memref<1x128x128xf32, #tpu.memory_space<vmem>>
      %dma_wait3A_74 = tpu.memref_squeeze %dma_wait3A_73 : memref<1x128x128xf32, #tpu.memory_space<vmem>> -> memref<128x128xf32, #tpu.memory_space<vmem>>
      %dma_wait3A_75 = arith.constant 0 : i32
      %dma_wait3A_76 = arith.constant 0 : i32
      %dma_wait3A_77 = tpu.memref_slice %arg2[%dma_wait3A_75, %dma_wait3A_76] : memref<10000x128xf32, #tpu.memory_space<hbm>> -> memref<128x128xf32, #tpu.memory_space<hbm>>
      %dma_wait3A_78 = arith.constant 0 : i32
      %dma_wait3A_79 = arith.constant 0 : i32
      %dma_wait3A_80 = tpu.memref_slice %arg9[%dma_wait3A_70, %dma_wait3A_78, %dma_wait3A_79] : memref<2x128x128xf32, #tpu.memory_space<vmem>> -> memref<1x128x128xf32, #tpu.memory_space<vmem>>
      %dma_wait3A_81 = tpu.memref_squeeze %dma_wait3A_80 : memref<1x128x128xf32, #tpu.memory_space<vmem>> -> memref<128x128xf32, #tpu.memory_space<vmem>>
      %dma_wait3A_82 = arith.constant 0 : i32
      %dma_wait3A_83 = arith.constant 0 : i32
      %dma_wait3A_84 = tpu.memref_slice %arg2[%dma_wait3A_82, %dma_wait3A_83] : memref<10000x128xf32, #tpu.memory_space<hbm>> -> memref<128x128xf32, #tpu.memory_space<hbm>>
      tpu.wait_dma2 semaphore(%arg12 : memref<!tpu.dma_semaphore, #tpu.memory_space<semaphore_mem>>) src(%dma_wait3A_84 : memref<128x128xf32, #tpu.memory_space<hbm>>) dst(%dma_wait3A_81 : memref<128x128xf32, #tpu.memory_space<vmem>>)
      %run_scoped3A = arith.constant 0 : i32
      "tpu.region"() ({
        %run_scoped3A_119 = tpu.sem_alloc : memref<!tpu.dma_semaphore, #tpu.memory_space<semaphore_mem>>
        %dma_start3A_120 = arith.constant 0 : i32
        %dma_start3A_121 = arith.constant 0 : i32
        %dma_start3A_122 = tpu.memref_slice %arg9[%run_scoped3A, %dma_start3A_120, %dma_start3A_121] : memref<2x128x128xf32, #tpu.memory_space<vmem>> -> memref<1x128x128xf32, #tpu.memory_space<vmem>>
        %dma_start3A_123 = tpu.memref_squeeze %dma_start3A_122 : memref<1x128x128xf32, #tpu.memory_space<vmem>> -> memref<128x128xf32, #tpu.memory_space<vmem>>
        %dma_start3A_124 = arith.constant 0 : i32
        %dma_start3A_125 = tpu.memref_slice %arg8[%add3A_69, %dma_start3A_124] : memref<40x128xi32, #tpu.memory_space<vmem>> -> memref<1x128xi32, #tpu.memory_space<vmem>>
        %dma_start3A_126 = tpu.memref_squeeze %dma_start3A_125 : memref<1x128xi32, #tpu.memory_space<vmem>> -> memref<128xi32, #tpu.memory_space<vmem>>
        %dma_start3A_127 = arith.constant 0 : i32
        %dma_start3A_128 = arith.constant 0 : i32
        %dma_start3A_129 = tpu.memref_slice %arg10[%dma_start3A_127, %dma_start3A_128] : memref<10240x128xf32, #tpu.memory_space<vmem_shared>> -> memref<10240x128xf32, #tpu.memory_space<vmem_shared>>
        tpu.enqueue_indirect_dma source(%dma_start3A_123 : memref<128x128xf32, #tpu.memory_space<vmem>>) target(%dma_start3A_129 : memref<10240x128xf32, #tpu.memory_space<vmem_shared>>) offsets(%dma_start3A_126 : memref<128xi32, #tpu.memory_space<vmem>>) semaphore(%run_scoped3A_119 : memref<!tpu.dma_semaphore, #tpu.memory_space<semaphore_mem>>) {add = true}
        %dma_wait3A_130 = arith.constant 0 : i32
        %dma_wait3A_131 = arith.constant 0 : i32
        %dma_wait3A_132 = tpu.memref_slice %arg9[%run_scoped3A, %dma_wait3A_130, %dma_wait3A_131] : memref<2x128x128xf32, #tpu.memory_space<vmem>> -> memref<1x128x128xf32, #tpu.memory_space<vmem>>
        %dma_wait3A_133 = tpu.memref_squeeze %dma_wait3A_132 : memref<1x128x128xf32, #tpu.memory_space<vmem>> -> memref<128x128xf32, #tpu.memory_space<vmem>>
        %dma_wait3A_134 = arith.constant 0 : i32
        %dma_wait3A_135 = tpu.memref_slice %arg8[%add3A_69, %dma_wait3A_134] : memref<40x128xi32, #tpu.memory_space<vmem>> -> memref<1x128xi32, #tpu.memory_space<vmem>>
        %dma_wait3A_136 = tpu.memref_squeeze %dma_wait3A_135 : memref<1x128xi32, #tpu.memory_space<vmem>> -> memref<128xi32, #tpu.memory_space<vmem>>
        %dma_wait3A_137 = arith.constant 0 : i32
        %dma_wait3A_138 = arith.constant 0 : i32
        %dma_wait3A_139 = tpu.memref_slice %arg10[%dma_wait3A_137, %dma_wait3A_138] : memref<10240x128xf32, #tpu.memory_space<vmem_shared>> -> memref<10240x128xf32, #tpu.memory_space<vmem_shared>>
        tpu.wait_indirect_dma semaphore(%run_scoped3A_119 : memref<!tpu.dma_semaphore, #tpu.memory_space<semaphore_mem>>) src(%dma_wait3A_133 : memref<128x128xf32, #tpu.memory_space<vmem>>) dst(%dma_wait3A_139 : memref<10240x128xf32, #tpu.memory_space<vmem_shared>>)
        tpu.yield
      }) : () -> ()
      %add3A_85 = arith.constant 2 : i32
      %add3A_86 = arith.addi %add3A_69, %add3A_85 : i32
      %lt3A = arith.constant 40 : i32
      %lt3A_87 = arith.cmpi slt, %add3A_86, %lt3A : i32
      %convert_element_type3A_88 = arith.extui %lt3A_87 : i1 to i32
      %cond3A_89 = arith.constant 0 : i32
      %cond3A_90 = arith.cmpi ne, %convert_element_type3A_88, %cond3A_89 : i32
      scf.if %cond3A_90 {
        %add3A_119 = arith.constant 2 : i32
        %add3A_120 = arith.addi %add3A_69, %add3A_119 : i32
        %eq3A_121 = arith.constant 0 : i32
        %eq3A_122 = arith.cmpi eq, %arg0, %eq3A_121 : i32
        %convert_element_type3A_123 = arith.extui %eq3A_122 : i1 to i32
        %cond3A_124 = arith.constant 0 : i32
        %cond3A_125 = arith.cmpi ne, %convert_element_type3A_123, %cond3A_124 : i32
        scf.if %cond3A_125 {
          %dma_start3A_131 = arith.constant 0 : i32
          %dma_start3A_132 = arith.constant 0 : i32
          %dma_start3A_133 = arith.constant 0 : i32
          %dma_start3A_134 = tpu.memref_slice %arg9[%dma_start3A_131, %dma_start3A_132, %dma_start3A_133] : memref<2x128x128xf32, #tpu.memory_space<vmem>> -> memref<1x128x128xf32, #tpu.memory_space<vmem>>
          %dma_start3A_135 = tpu.memref_squeeze %dma_start3A_134 : memref<1x128x128xf32, #tpu.memory_space<vmem>> -> memref<128x128xf32, #tpu.memory_space<vmem>>
          %dma_start3A_136 = arith.constant 0 : i32
          %dma_start3A_137 = tpu.memref_slice %arg7[%add3A_120, %dma_start3A_136] : memref<40x128xi32, #tpu.memory_space<vmem>> -> memref<1x128xi32, #tpu.memory_space<vmem>>
          %dma_start3A_138 = tpu.memref_squeeze %dma_start3A_137 : memref<1x128xi32, #tpu.memory_space<vmem>> -> memref<128xi32, #tpu.memory_space<vmem>>
          %dma_start3A_139 = arith.constant 0 : i32
          %dma_start3A_140 = arith.constant 0 : i32
          %dma_start3A_141 = tpu.memref_slice %arg2[%dma_start3A_139, %dma_start3A_140] : memref<10000x128xf32, #tpu.memory_space<hbm>> -> memref<10000x128xf32, #tpu.memory_space<hbm>>
          tpu.enqueue_indirect_dma source(%dma_start3A_141 : memref<10000x128xf32, #tpu.memory_space<hbm>>) target(%dma_start3A_135 : memref<128x128xf32, #tpu.memory_space<vmem>>) offsets(%dma_start3A_138 : memref<128xi32, #tpu.memory_space<vmem>>) semaphore(%arg12 : memref<!tpu.dma_semaphore, #tpu.memory_space<semaphore_mem>>)
        } else {
        }
        %eq3A_126 = arith.constant 1 : i32
        %eq3A_127 = arith.cmpi eq, %arg0, %eq3A_126 : i32
        %convert_element_type3A_128 = arith.extui %eq3A_127 : i1 to i32
        %cond3A_129 = arith.constant 0 : i32
        %cond3A_130 = arith.cmpi ne, %convert_element_type3A_128, %cond3A_129 : i32
        scf.if %cond3A_130 {
          %dma_start3A_131 = arith.constant 0 : i32
          %dma_start3A_132 = arith.constant 0 : i32
          %dma_start3A_133 = arith.constant 0 : i32
          %dma_start3A_134 = tpu.memref_slice %arg9[%dma_start3A_131, %dma_start3A_132, %dma_start3A_133] : memref<2x128x128xf32, #tpu.memory_space<vmem>> -> memref<1x128x128xf32, #tpu.memory_space<vmem>>
          %dma_start3A_135 = tpu.memref_squeeze %dma_start3A_134 : memref<1x128x128xf32, #tpu.memory_space<vmem>> -> memref<128x128xf32, #tpu.memory_space<vmem>>
          %dma_start3A_136 = arith.constant 0 : i32
          %dma_start3A_137 = tpu.memref_slice %arg7[%add3A_120, %dma_start3A_136] : memref<40x128xi32, #tpu.memory_space<vmem>> -> memref<1x128xi32, #tpu.memory_space<vmem>>
          %dma_start3A_138 = tpu.memref_squeeze %dma_start3A_137 : memref<1x128xi32, #tpu.memory_space<vmem>> -> memref<128xi32, #tpu.memory_space<vmem>>
          %dma_start3A_139 = arith.constant 0 : i32
          %dma_start3A_140 = arith.constant 0 : i32
          %dma_start3A_141 = tpu.memref_slice %arg3[%dma_start3A_139, %dma_start3A_140] : memref<10000x128xf32, #tpu.memory_space<hbm>> -> memref<10000x128xf32, #tpu.memory_space<hbm>>
          tpu.enqueue_indirect_dma source(%dma_start3A_141 : memref<10000x128xf32, #tpu.memory_space<hbm>>) target(%dma_start3A_135 : memref<128x128xf32, #tpu.memory_space<vmem>>) offsets(%dma_start3A_138 : memref<128xi32, #tpu.memory_space<vmem>>) semaphore(%arg12 : memref<!tpu.dma_semaphore, #tpu.memory_space<semaphore_mem>>)
        } else {
        }
      } else {
      }
      %mul3A_91 = arith.constant 2 : i32
      %mul3A_92 = arith.muli %scan3A_64, %mul3A_91 : i32
      %add3A_93 = arith.constant 1 : i32
      %add3A_94 = arith.addi %mul3A_92, %add3A_93 : i32
      %dma_wait3A_95 = arith.constant 1 : i32
      %dma_wait3A_96 = arith.constant 0 : i32
      %dma_wait3A_97 = arith.constant 0 : i32
      %dma_wait3A_98 = tpu.memref_slice %arg9[%dma_wait3A_95, %dma_wait3A_96, %dma_wait3A_97] : memref<2x128x128xf32, #tpu.memory_space<vmem>> -> memref<1x128x128xf32, #tpu.memory_space<vmem>>
      %dma_wait3A_99 = tpu.memref_squeeze %dma_wait3A_98 : memref<1x128x128xf32, #tpu.memory_space<vmem>> -> memref<128x128xf32, #tpu.memory_space<vmem>>
      %dma_wait3A_100 = arith.constant 0 : i32
      %dma_wait3A_101 = arith.constant 0 : i32
      %dma_wait3A_102 = tpu.memref_slice %arg2[%dma_wait3A_100, %dma_wait3A_101] : memref<10000x128xf32, #tpu.memory_space<hbm>> -> memref<128x128xf32, #tpu.memory_space<hbm>>
      %dma_wait3A_103 = arith.constant 0 : i32
      %dma_wait3A_104 = arith.constant 0 : i32
      %dma_wait3A_105 = tpu.memref_slice %arg9[%dma_wait3A_95, %dma_wait3A_103, %dma_wait3A_104] : memref<2x128x128xf32, #tpu.memory_space<vmem>> -> memref<1x128x128xf32, #tpu.memory_space<vmem>>
      %dma_wait3A_106 = tpu.memref_squeeze %dma_wait3A_105 : memref<1x128x128xf32, #tpu.memory_space<vmem>> -> memref<128x128xf32, #tpu.memory_space<vmem>>
      %dma_wait3A_107 = arith.constant 0 : i32
      %dma_wait3A_108 = arith.constant 0 : i32
      %dma_wait3A_109 = tpu.memref_slice %arg2[%dma_wait3A_107, %dma_wait3A_108] : memref<10000x128xf32, #tpu.memory_space<hbm>> -> memref<128x128xf32, #tpu.memory_space<hbm>>
      tpu.wait_dma2 semaphore(%arg13 : memref<!tpu.dma_semaphore, #tpu.memory_space<semaphore_mem>>) src(%dma_wait3A_109 : memref<128x128xf32, #tpu.memory_space<hbm>>) dst(%dma_wait3A_106 : memref<128x128xf32, #tpu.memory_space<vmem>>)
      %run_scoped3A_110 = arith.constant 1 : i32
      "tpu.region"() ({
        %run_scoped3A_119 = tpu.sem_alloc : memref<!tpu.dma_semaphore, #tpu.memory_space<semaphore_mem>>
        %dma_start3A_120 = arith.constant 0 : i32
        %dma_start3A_121 = arith.constant 0 : i32
        %dma_start3A_122 = tpu.memref_slice %arg9[%run_scoped3A_110, %dma_start3A_120, %dma_start3A_121] : memref<2x128x128xf32, #tpu.memory_space<vmem>> -> memref<1x128x128xf32, #tpu.memory_space<vmem>>
        %dma_start3A_123 = tpu.memref_squeeze %dma_start3A_122 : memref<1x128x128xf32, #tpu.memory_space<vmem>> -> memref<128x128xf32, #tpu.memory_space<vmem>>
        %dma_start3A_124 = arith.constant 0 : i32
        %dma_start3A_125 = tpu.memref_slice %arg8[%add3A_94, %dma_start3A_124] : memref<40x128xi32, #tpu.memory_space<vmem>> -> memref<1x128xi32, #tpu.memory_space<vmem>>
        %dma_start3A_126 = tpu.memref_squeeze %dma_start3A_125 : memref<1x128xi32, #tpu.memory_space<vmem>> -> memref<128xi32, #tpu.memory_space<vmem>>
        %dma_start3A_127 = arith.constant 0 : i32
        %dma_start3A_128 = arith.constant 0 : i32
        %dma_start3A_129 = tpu.memref_slice %arg10[%dma_start3A_127, %dma_start3A_128] : memref<10240x128xf32, #tpu.memory_space<vmem_shared>> -> memref<10240x128xf32, #tpu.memory_space<vmem_shared>>
        tpu.enqueue_indirect_dma source(%dma_start3A_123 : memref<128x128xf32, #tpu.memory_space<vmem>>) target(%dma_start3A_129 : memref<10240x128xf32, #tpu.memory_space<vmem_shared>>) offsets(%dma_start3A_126 : memref<128xi32, #tpu.memory_space<vmem>>) semaphore(%run_scoped3A_119 : memref<!tpu.dma_semaphore, #tpu.memory_space<semaphore_mem>>) {add = true}
        %dma_wait3A_130 = arith.constant 0 : i32
        %dma_wait3A_131 = arith.constant 0 : i32
        %dma_wait3A_132 = tpu.memref_slice %arg9[%run_scoped3A_110, %dma_wait3A_130, %dma_wait3A_131] : memref<2x128x128xf32, #tpu.memory_space<vmem>> -> memref<1x128x128xf32, #tpu.memory_space<vmem>>
        %dma_wait3A_133 = tpu.memref_squeeze %dma_wait3A_132 : memref<1x128x128xf32, #tpu.memory_space<vmem>> -> memref<128x128xf32, #tpu.memory_space<vmem>>
        %dma_wait3A_134 = arith.constant 0 : i32
        %dma_wait3A_135 = tpu.memref_slice %arg8[%add3A_94, %dma_wait3A_134] : memref<40x128xi32, #tpu.memory_space<vmem>> -> memref<1x128xi32, #tpu.memory_space<vmem>>
        %dma_wait3A_136 = tpu.memref_squeeze %dma_wait3A_135 : memref<1x128xi32, #tpu.memory_space<vmem>> -> memref<128xi32, #tpu.memory_space<vmem>>
        %dma_wait3A_137 = arith.constant 0 : i32
        %dma_wait3A_138 = arith.constant 0 : i32
        %dma_wait3A_139 = tpu.memref_slice %arg10[%dma_wait3A_137, %dma_wait3A_138] : memref<10240x128xf32, #tpu.memory_space<vmem_shared>> -> memref<10240x128xf32, #tpu.memory_space<vmem_shared>>
        tpu.wait_indirect_dma semaphore(%run_scoped3A_119 : memref<!tpu.dma_semaphore, #tpu.memory_space<semaphore_mem>>) src(%dma_wait3A_133 : memref<128x128xf32, #tpu.memory_space<vmem>>) dst(%dma_wait3A_139 : memref<10240x128xf32, #tpu.memory_space<vmem_shared>>)
        tpu.yield
      }) : () -> ()
      %add3A_111 = arith.constant 2 : i32
      %add3A_112 = arith.addi %add3A_94, %add3A_111 : i32
      %lt3A_113 = arith.constant 40 : i32
      %lt3A_114 = arith.cmpi slt, %add3A_112, %lt3A_113 : i32
      %convert_element_type3A_115 = arith.extui %lt3A_114 : i1 to i32
      %cond3A_116 = arith.constant 0 : i32
      %cond3A_117 = arith.cmpi ne, %convert_element_type3A_115, %cond3A_116 : i32
      scf.if %cond3A_117 {
        %add3A_119 = arith.constant 2 : i32
        %add3A_120 = arith.addi %add3A_94, %add3A_119 : i32
        %eq3A_121 = arith.constant 0 : i32
        %eq3A_122 = arith.cmpi eq, %arg0, %eq3A_121 : i32
        %convert_element_type3A_123 = arith.extui %eq3A_122 : i1 to i32
        %cond3A_124 = arith.constant 0 : i32
        %cond3A_125 = arith.cmpi ne, %convert_element_type3A_123, %cond3A_124 : i32
        scf.if %cond3A_125 {
          %dma_start3A_131 = arith.constant 1 : i32
          %dma_start3A_132 = arith.constant 0 : i32
          %dma_start3A_133 = arith.constant 0 : i32
          %dma_start3A_134 = tpu.memref_slice %arg9[%dma_start3A_131, %dma_start3A_132, %dma_start3A_133] : memref<2x128x128xf32, #tpu.memory_space<vmem>> -> memref<1x128x128xf32, #tpu.memory_space<vmem>>
          %dma_start3A_135 = tpu.memref_squeeze %dma_start3A_134 : memref<1x128x128xf32, #tpu.memory_space<vmem>> -> memref<128x128xf32, #tpu.memory_space<vmem>>
          %dma_start3A_136 = arith.constant 0 : i32
          %dma_start3A_137 = tpu.memref_slice %arg7[%add3A_120, %dma_start3A_136] : memref<40x128xi32, #tpu.memory_space<vmem>> -> memref<1x128xi32, #tpu.memory_space<vmem>>
          %dma_start3A_138 = tpu.memref_squeeze %dma_start3A_137 : memref<1x128xi32, #tpu.memory_space<vmem>> -> memref<128xi32, #tpu.memory_space<vmem>>
          %dma_start3A_139 = arith.constant 0 : i32
          %dma_start3A_140 = arith.constant 0 : i32
          %dma_start3A_141 = tpu.memref_slice %arg2[%dma_start3A_139, %dma_start3A_140] : memref<10000x128xf32, #tpu.memory_space<hbm>> -> memref<10000x128xf32, #tpu.memory_space<hbm>>
          tpu.enqueue_indirect_dma source(%dma_start3A_141 : memref<10000x128xf32, #tpu.memory_space<hbm>>) target(%dma_start3A_135 : memref<128x128xf32, #tpu.memory_space<vmem>>) offsets(%dma_start3A_138 : memref<128xi32, #tpu.memory_space<vmem>>) semaphore(%arg13 : memref<!tpu.dma_semaphore, #tpu.memory_space<semaphore_mem>>)
        } else {
        }
        %eq3A_126 = arith.constant 1 : i32
        %eq3A_127 = arith.cmpi eq, %arg0, %eq3A_126 : i32
        %convert_element_type3A_128 = arith.extui %eq3A_127 : i1 to i32
        %cond3A_129 = arith.constant 0 : i32
        %cond3A_130 = arith.cmpi ne, %convert_element_type3A_128, %cond3A_129 : i32
        scf.if %cond3A_130 {
          %dma_start3A_131 = arith.constant 1 : i32
          %dma_start3A_132 = arith.constant 0 : i32
          %dma_start3A_133 = arith.constant 0 : i32
          %dma_start3A_134 = tpu.memref_slice %arg9[%dma_start3A_131, %dma_start3A_132, %dma_start3A_133] : memref<2x128x128xf32, #tpu.memory_space<vmem>> -> memref<1x128x128xf32, #tpu.memory_space<vmem>>
          %dma_start3A_135 = tpu.memref_squeeze %dma_start3A_134 : memref<1x128x128xf32, #tpu.memory_space<vmem>> -> memref<128x128xf32, #tpu.memory_space<vmem>>
          %dma_start3A_136 = arith.constant 0 : i32
          %dma_start3A_137 = tpu.memref_slice %arg7[%add3A_120, %dma_start3A_136] : memref<40x128xi32, #tpu.memory_space<vmem>> -> memref<1x128xi32, #tpu.memory_space<vmem>>
          %dma_start3A_138 = tpu.memref_squeeze %dma_start3A_137 : memref<1x128xi32, #tpu.memory_space<vmem>> -> memref<128xi32, #tpu.memory_space<vmem>>
          %dma_start3A_139 = arith.constant 0 : i32
          %dma_start3A_140 = arith.constant 0 : i32
          %dma_start3A_141 = tpu.memref_slice %arg3[%dma_start3A_139, %dma_start3A_140] : memref<10000x128xf32, #tpu.memory_space<hbm>> -> memref<10000x128xf32, #tpu.memory_space<hbm>>
          tpu.enqueue_indirect_dma source(%dma_start3A_141 : memref<10000x128xf32, #tpu.memory_space<hbm>>) target(%dma_start3A_135 : memref<128x128xf32, #tpu.memory_space<vmem>>) offsets(%dma_start3A_138 : memref<128xi32, #tpu.memory_space<vmem>>) semaphore(%arg13 : memref<!tpu.dma_semaphore, #tpu.memory_space<semaphore_mem>>)
        } else {
        }
      } else {
      }
      %scan3A_118 = arith.constant 0 : i32
      scf.yield %scan3A_118 : i32
    }
    %scan3A_58 = arith.constant 20 : i32
    %barrier3A_59 = arith.constant 0 : index
    tpu.barrier barrier_id(%barrier3A_59)
    %mul3A_60 = arith.constant 640 : i32
    %mul3A_61 = arith.muli %arg1, %mul3A_60 : i32
    %mul3A_62 = arith.constant 640 : i32
    %mul3A_63 = arith.muli %arg1, %mul3A_62 : i32
    "tpu.region"() ({
      %run_scoped3A = tpu.sem_alloc : memref<!tpu.dma_semaphore, #tpu.memory_space<semaphore_mem>>
      %dma_start3A_64 = arith.constant 0 : i32
      %dma_start3A_65 = tpu.memref_slice %arg6[%arg0, %mul3A_63, %dma_start3A_64] : memref<2x10240x128xf32, #tpu.memory_space<hbm>> -> memref<1x640x128xf32, #tpu.memory_space<hbm>>
      %dma_start3A_66 = tpu.memref_squeeze %dma_start3A_65 : memref<1x640x128xf32, #tpu.memory_space<hbm>> -> memref<640x128xf32, #tpu.memory_space<hbm>>
      %dma_start3A_67 = arith.constant 0 : i32
      %dma_start3A_68 = tpu.memref_slice %arg10[%mul3A_61, %dma_start3A_67] : memref<10240x128xf32, #tpu.memory_space<vmem_shared>> -> memref<640x128xf32, #tpu.memory_space<vmem_shared>>
      tpu.enqueue_dma source(%dma_start3A_68 : memref<640x128xf32, #tpu.memory_space<vmem_shared>>) target(%dma_start3A_66 : memref<640x128xf32, #tpu.memory_space<hbm>>) target_semaphore(%run_scoped3A : memref<!tpu.dma_semaphore, #tpu.memory_space<semaphore_mem>>)
      %dma_wait3A_69 = arith.constant 0 : i32
      %dma_wait3A_70 = tpu.memref_slice %arg6[%arg0, %mul3A_63, %dma_wait3A_69] : memref<2x10240x128xf32, #tpu.memory_space<hbm>> -> memref<1x640x128xf32, #tpu.memory_space<hbm>>
      %dma_wait3A_71 = tpu.memref_squeeze %dma_wait3A_70 : memref<1x640x128xf32, #tpu.memory_space<hbm>> -> memref<640x128xf32, #tpu.memory_space<hbm>>
      %dma_wait3A_72 = arith.constant 0 : i32
      %dma_wait3A_73 = tpu.memref_slice %arg10[%mul3A_61, %dma_wait3A_72] : memref<10240x128xf32, #tpu.memory_space<vmem_shared>> -> memref<640x128xf32, #tpu.memory_space<vmem_shared>>
      tpu.wait_dma2 semaphore(%run_scoped3A : memref<!tpu.dma_semaphore, #tpu.memory_space<semaphore_mem>>) src(%dma_wait3A_73 : memref<640x128xf32, #tpu.memory_space<vmem_shared>>) dst(%dma_wait3A_71 : memref<640x128xf32, #tpu.memory_space<hbm>>)
      tpu.yield
    }) : () -> ()
    return
  }
}

#map = affine_map<(d0, d1) -> (0)>
module attributes {stable_mosaic.version = 14 : i64} {
  func.func @_head_body(%arg0: i32, %arg1: i32, %arg2: memref<20000xf32, #tpu.memory_space<hbm>>, %arg3: memref<16384xi32, #tpu.memory_space<hbm>>, %arg4: memref<16384xi32, #tpu.memory_space<hbm>>, %arg5: memref<16384xf32, #tpu.memory_space<hbm>>, %arg6: memref<20000xf32, #tpu.memory_space<vmem>>, %arg7: memref<512xi32, #tpu.memory_space<vmem>>, %arg8: memref<512xi32, #tpu.memory_space<vmem>>, %arg9: memref<512xf32, #tpu.memory_space<vmem>>) attributes {dimension_semantics = [#tpu.dimension_semantics<core_parallel>, #tpu.dimension_semantics<subcore_parallel>], iteration_bounds = array<i64: 2, 16>, scalar_prefetch = 0 : i64, scratch_operands = 4 : i64, tpu.core_type = #tpu.core_type<sc_vector_subcore>, window_params = [{transform_indices = #map}, {transform_indices = #map}, {transform_indices = #map}, {transform_indices = #map}]} {
    %mul3A = arith.constant 2 : i32
    %mul3A_0 = arith.muli %arg1, %mul3A : i32
    %add3A = arith.addi %mul3A_0, %arg0 : i32
    %mul3A_1 = arith.constant 512 : i32
    %mul3A_2 = arith.muli %add3A, %mul3A_1 : i32
    "tpu.region"() ({
      %run_scoped3A = tpu.sem_alloc : memref<!tpu.dma_semaphore, #tpu.memory_space<semaphore_mem>>
      tpu.enqueue_dma source(%arg2 : memref<20000xf32, #tpu.memory_space<hbm>>) target(%arg6 : memref<20000xf32, #tpu.memory_space<vmem>>) target_semaphore(%run_scoped3A : memref<!tpu.dma_semaphore, #tpu.memory_space<semaphore_mem>>)
      tpu.wait_dma2 semaphore(%run_scoped3A : memref<!tpu.dma_semaphore, #tpu.memory_space<semaphore_mem>>) src(%arg2 : memref<20000xf32, #tpu.memory_space<hbm>>) dst(%arg6 : memref<20000xf32, #tpu.memory_space<vmem>>)
      tpu.yield
    }) : () -> ()
    "tpu.region"() ({
      %run_scoped3A = tpu.sem_alloc : memref<!tpu.dma_semaphore, #tpu.memory_space<semaphore_mem>>
      %dma_start3A = tpu.memref_slice %arg3[%mul3A_2] : memref<16384xi32, #tpu.memory_space<hbm>> -> memref<512xi32, #tpu.memory_space<hbm>>
      %dma_start3A_9 = tpu.memref_slice %arg3[%mul3A_2] : memref<16384xi32, #tpu.memory_space<hbm>> -> memref<512xi32, #tpu.memory_space<hbm>>
      tpu.enqueue_dma source(%dma_start3A_9 : memref<512xi32, #tpu.memory_space<hbm>>) target(%arg7 : memref<512xi32, #tpu.memory_space<vmem>>) target_semaphore(%run_scoped3A : memref<!tpu.dma_semaphore, #tpu.memory_space<semaphore_mem>>)
      %dma_wait3A = tpu.memref_slice %arg3[%mul3A_2] : memref<16384xi32, #tpu.memory_space<hbm>> -> memref<512xi32, #tpu.memory_space<hbm>>
      %dma_wait3A_10 = tpu.memref_slice %arg3[%mul3A_2] : memref<16384xi32, #tpu.memory_space<hbm>> -> memref<512xi32, #tpu.memory_space<hbm>>
      tpu.wait_dma2 semaphore(%run_scoped3A : memref<!tpu.dma_semaphore, #tpu.memory_space<semaphore_mem>>) src(%dma_wait3A_10 : memref<512xi32, #tpu.memory_space<hbm>>) dst(%arg7 : memref<512xi32, #tpu.memory_space<vmem>>)
      tpu.yield
    }) : () -> ()
    "tpu.region"() ({
      %run_scoped3A = tpu.sem_alloc : memref<!tpu.dma_semaphore, #tpu.memory_space<semaphore_mem>>
      %dma_start3A = tpu.memref_slice %arg4[%mul3A_2] : memref<16384xi32, #tpu.memory_space<hbm>> -> memref<512xi32, #tpu.memory_space<hbm>>
      %dma_start3A_9 = tpu.memref_slice %arg4[%mul3A_2] : memref<16384xi32, #tpu.memory_space<hbm>> -> memref<512xi32, #tpu.memory_space<hbm>>
      tpu.enqueue_dma source(%dma_start3A_9 : memref<512xi32, #tpu.memory_space<hbm>>) target(%arg8 : memref<512xi32, #tpu.memory_space<vmem>>) target_semaphore(%run_scoped3A : memref<!tpu.dma_semaphore, #tpu.memory_space<semaphore_mem>>)
      %dma_wait3A = tpu.memref_slice %arg4[%mul3A_2] : memref<16384xi32, #tpu.memory_space<hbm>> -> memref<512xi32, #tpu.memory_space<hbm>>
      %dma_wait3A_10 = tpu.memref_slice %arg4[%mul3A_2] : memref<16384xi32, #tpu.memory_space<hbm>> -> memref<512xi32, #tpu.memory_space<hbm>>
      tpu.wait_dma2 semaphore(%run_scoped3A : memref<!tpu.dma_semaphore, #tpu.memory_space<semaphore_mem>>) src(%dma_wait3A_10 : memref<512xi32, #tpu.memory_space<hbm>>) dst(%arg8 : memref<512xi32, #tpu.memory_space<vmem>>)
      tpu.yield
    }) : () -> ()
    %scan3A = arith.constant 0 : i32
    %scan3A_3 = arith.constant 0 : i32
    %scan3A_4 = arith.constant 32 : i32
    %scan3A_5 = arith.addi %scan3A_3, %scan3A_4 : i32
    %scan3A_6 = arith.constant 1 : i32
    %scan3A_7 = scf.for %scan3A_9 = %scan3A_3 to %scan3A_5 step %scan3A_6 iter_args(%scan3A_10 = %scan3A) -> (i32)  : i32 {
      %mul3A_11 = arith.constant 16 : i32
      %mul3A_12 = arith.muli %scan3A_9, %mul3A_11 : i32
      %get3A = arith.index_cast %mul3A_12 : i32 to index
      %get3A_13 = tpu.vector_load %arg7[%get3A] {strides = array<i32>} : memref<512xi32, #tpu.memory_space<vmem>>, vector<16xi32>,
      %mul3A_14 = arith.constant 16 : i32
      %mul3A_15 = arith.muli %scan3A_9, %mul3A_14 : i32
      %get3A_16 = arith.index_cast %mul3A_15 : i32 to index
      %get3A_17 = tpu.vector_load %arg8[%get3A_16] {strides = array<i32>} : memref<512xi32, #tpu.memory_space<vmem>>, vector<16xi32>,
      %mul3A_18 = arith.constant 2 : i32
      %mul3A_19 = vector.broadcast %mul3A_18 : i32 to vector<16xi32>
      %mul3A_20 = arith.muli %get3A_13, %mul3A_19 : vector<16xi32>
      %gather3A = tpu.vector_load_idx %arg6[%mul3A_20] : memref<20000xf32, #tpu.memory_space<vmem>>[vector<16xi32>], vector<16xf32>,
      %mul3A_21 = arith.constant 2 : i32
      %mul3A_22 = vector.broadcast %mul3A_21 : i32 to vector<16xi32>
      %mul3A_23 = arith.muli %get3A_17, %mul3A_22 : vector<16xi32>
      %add3A_24 = arith.constant 1 : i32
      %add3A_25 = vector.broadcast %add3A_24 : i32 to vector<16xi32>
      %add3A_26 = arith.addi %mul3A_23, %add3A_25 : vector<16xi32>
      %gather3A_27 = tpu.vector_load_idx %arg6[%add3A_26] : memref<20000xf32, #tpu.memory_space<vmem>>[vector<16xi32>], vector<16xf32>,
      %add3A_28 = arith.addf %gather3A, %gather3A_27 : vector<16xf32>
      %neg3A = arith.constant 0.000000e+00 : f32
      %neg3A_29 = vector.broadcast %neg3A : f32 to vector<16xf32>
      %neg3A_30 = arith.subf %neg3A_29, %add3A_28 : vector<16xf32>
      %exp3A = math.exp %neg3A_30 : vector<16xf32>
      %add3A_31 = arith.constant 1.000000e+00 : f32
      %add3A_32 = vector.broadcast %add3A_31 : f32 to vector<16xf32>
      %add3A_33 = arith.addf %add3A_32, %exp3A : vector<16xf32>
      %div3A = arith.constant 1.000000e+00 : f32
      %div3A_34 = vector.broadcast %div3A : f32 to vector<16xf32>
      %div3A_35 = arith.divf %div3A_34, %add3A_33 : vector<16xf32>
      %mul3A_36 = arith.constant 16 : i32
      %mul3A_37 = arith.muli %scan3A_9, %mul3A_36 : i32
      %swap3A = arith.index_cast %mul3A_37 : i32 to index
      %swap3A_38 = tpu.vector_load %arg9[%swap3A] {strides = array<i32>} : memref<512xf32, #tpu.memory_space<vmem>>, vector<16xf32>,
      tpu.vector_store %arg9[%swap3A], %div3A_35 {strides = array<i32>} : memref<512xf32, #tpu.memory_space<vmem>>, vector<16xf32>,
      %scan3A_39 = arith.constant 0 : i32
      scf.yield %scan3A_39 : i32
    }
    %scan3A_8 = arith.constant 32 : i32
    "tpu.region"() ({
      %run_scoped3A = tpu.sem_alloc : memref<!tpu.dma_semaphore, #tpu.memory_space<semaphore_mem>>
      %dma_start3A = tpu.memref_slice %arg5[%mul3A_2] : memref<16384xf32, #tpu.memory_space<hbm>> -> memref<512xf32, #tpu.memory_space<hbm>>
      %dma_start3A_9 = tpu.memref_slice %arg5[%mul3A_2] : memref<16384xf32, #tpu.memory_space<hbm>> -> memref<512xf32, #tpu.memory_space<hbm>>
      tpu.enqueue_dma source(%arg9 : memref<512xf32, #tpu.memory_space<vmem>>) target(%dma_start3A_9 : memref<512xf32, #tpu.memory_space<hbm>>) target_semaphore(%run_scoped3A : memref<!tpu.dma_semaphore, #tpu.memory_space<semaphore_mem>>)
      %dma_wait3A = tpu.memref_slice %arg5[%mul3A_2] : memref<16384xf32, #tpu.memory_space<hbm>> -> memref<512xf32, #tpu.memory_space<hbm>>
      %dma_wait3A_10 = tpu.memref_slice %arg5[%mul3A_2] : memref<16384xf32, #tpu.memory_space<hbm>> -> memref<512xf32, #tpu.memory_space<hbm>>
      tpu.wait_dma2 semaphore(%run_scoped3A : memref<!tpu.dma_semaphore, #tpu.memory_space<semaphore_mem>>) src(%arg9 : memref<512xf32, #tpu.memory_space<vmem>>) dst(%dma_wait3A_10 : memref<512xf32, #tpu.memory_space<hbm>>)
      tpu.yield
    }) : () -> ()
    return
  }
}

#map = affine_map<(d0, d1) -> (0, 0)>
#map1 = affine_map<(d0, d1) -> (0, 0, 0)>
module attributes {stable_mosaic.version = 14 : i64} {
  func.func @body(%arg0: i32, %arg1: i32, %arg2: memref<10000x128xf32, #tpu.memory_space<hbm>>, %arg3: memref<10000x128xf32, #tpu.memory_space<hbm>>, %arg4: memref<1280x128xi32, #tpu.memory_space<hbm>>, %arg5: memref<1280x128xi32, #tpu.memory_space<hbm>>, %arg6: memref<2x10240x128xf32, #tpu.memory_space<hbm>>, %arg7: memref<40x128xi32, #tpu.memory_space<vmem>>, %arg8: memref<40x128xi32, #tpu.memory_space<vmem>>, %arg9: memref<2x128x128xf32, #tpu.memory_space<vmem>>, %arg10: memref<10240x128xf32, #tpu.memory_space<vmem_shared>>, %arg11: memref<!tpu.dma_semaphore, #tpu.memory_space<semaphore_mem>>, %arg12: memref<!tpu.dma_semaphore, #tpu.memory_space<semaphore_mem>>, %arg13: memref<!tpu.dma_semaphore, #tpu.memory_space<semaphore_mem>>) attributes {dimension_semantics = [#tpu.dimension_semantics<core_parallel>, #tpu.dimension_semantics<subcore_parallel>], iteration_bounds = array<i64: 2, 16>, scalar_prefetch = 0 : i64, scratch_operands = 7 : i64, tpu.core_type = #tpu.core_type<sc_vector_subcore>, window_params = [{transform_indices = #map}, {transform_indices = #map}, {transform_indices = #map}, {transform_indices = #map}, {transform_indices = #map1}]} {
    %mul3A = arith.constant 2 : i32
    %mul3A_0 = arith.muli %arg1, %mul3A : i32
    %add3A = arith.addi %mul3A_0, %arg0 : i32
    %mul3A_1 = arith.constant 80 : i32
    %mul3A_2 = arith.muli %arg1, %mul3A_1 : i32
    %dma_start3A = arith.constant 0 : i32
    %dma_start3A_3 = tpu.memref_slice %arg4[%mul3A_2, %dma_start3A] : memref<1280x128xi32, #tpu.memory_space<hbm>> -> memref<40x128xi32, #tpu.memory_space<hbm>>
    %dma_start3A_4 = arith.constant 0 : i32
    %dma_start3A_5 = tpu.memref_slice %arg4[%mul3A_2, %dma_start3A_4] : memref<1280x128xi32, #tpu.memory_space<hbm>> -> memref<40x128xi32, #tpu.memory_space<hbm>>
    tpu.enqueue_dma source(%dma_start3A_5 : memref<40x128xi32, #tpu.memory_space<hbm>>) target(%arg7 : memref<40x128xi32, #tpu.memory_space<vmem>>) target_semaphore(%arg11 : memref<!tpu.dma_semaphore, #tpu.memory_space<semaphore_mem>>)
    %dma_start3A_6 = arith.constant 0 : i32
    %dma_start3A_7 = tpu.memref_slice %arg5[%mul3A_2, %dma_start3A_6] : memref<1280x128xi32, #tpu.memory_space<hbm>> -> memref<40x128xi32, #tpu.memory_space<hbm>>
    %dma_start3A_8 = arith.constant 0 : i32
    %dma_start3A_9 = tpu.memref_slice %arg5[%mul3A_2, %dma_start3A_8] : memref<1280x128xi32, #tpu.memory_space<hbm>> -> memref<40x128xi32, #tpu.memory_space<hbm>>
    tpu.enqueue_dma source(%dma_start3A_9 : memref<40x128xi32, #tpu.memory_space<hbm>>) target(%arg8 : memref<40x128xi32, #tpu.memory_space<vmem>>) target_semaphore(%arg11 : memref<!tpu.dma_semaphore, #tpu.memory_space<semaphore_mem>>)
    %broadcast_in_dim3A = arith.constant 0.000000e+00 : f32
    %broadcast_in_dim3A_10 = vector.broadcast %broadcast_in_dim3A : f32 to vector<16xf32>
    %scan3A = arith.constant 0 : i32
    %scan3A_11 = arith.constant 0 : i32
    %scan3A_12 = arith.constant 128 : i32
    %scan3A_13 = arith.addi %scan3A_11, %scan3A_12 : i32
    %scan3A_14 = arith.constant 1 : i32
    %scan3A_15 = scf.for %scan3A_99 = %scan3A_11 to %scan3A_13 step %scan3A_14 iter_args(%scan3A_100 = %scan3A) -> (i32)  : i32 {
      %scan3A_101 = arith.constant 0 : i32
      %scan3A_102 = arith.constant 0 : i32
      %scan3A_103 = arith.constant 8 : i32
      %scan3A_104 = arith.addi %scan3A_102, %scan3A_103 : i32
      %scan3A_105 = arith.constant 1 : i32
      %scan3A_106 = scf.for %scan3A_108 = %scan3A_102 to %scan3A_104 step %scan3A_105 iter_args(%scan3A_109 = %scan3A_101) -> (i32)  : i32 {
        %mul3A_110 = arith.constant 16 : i32
        %mul3A_111 = arith.muli %scan3A_108, %mul3A_110 : i32
        %swap3A = arith.constant 0 : i32
        %swap3A_112 = arith.index_cast %swap3A : i32 to index
        %swap3A_113 = arith.index_cast %scan3A_99 : i32 to index
        %swap3A_114 = arith.index_cast %mul3A_111 : i32 to index
        %swap3A_115 = tpu.vector_load %arg9[%swap3A_112, %swap3A_113, %swap3A_114] {strides = array<i32>} : memref<2x128x128xf32, #tpu.memory_space<vmem>>, vector<1x1x16xf32>,
        %swap3A_116 = vector.shape_cast %swap3A_115 : vector<1x1x16xf32> to vector<16xf32>
        %swap3A_117 = vector.shape_cast %broadcast_in_dim3A_10 : vector<16xf32> to vector<1x1x16xf32>
        tpu.vector_store %arg9[%swap3A_112, %swap3A_113, %swap3A_114], %swap3A_117 {strides = array<i32>} : memref<2x128x128xf32, #tpu.memory_space<vmem>>, vector<1x1x16xf32>,
        %scan3A_118 = arith.constant 0 : i32
        scf.yield %scan3A_118 : i32
      }
      %scan3A_107 = arith.constant 8 : i32
      scf.yield %scan3A_106 : i32
    }
    %scan3A_16 = arith.constant 128 : i32
    %scan3A_17 = arith.constant 0 : i32
    %scan3A_18 = arith.constant 0 : i32
    %scan3A_19 = arith.constant 5 : i32
    %scan3A_20 = arith.addi %scan3A_18, %scan3A_19 : i32
    %scan3A_21 = arith.constant 1 : i32
    %scan3A_22 = scf.for %scan3A_99 = %scan3A_18 to %scan3A_20 step %scan3A_21 iter_args(%scan3A_100 = %scan3A_17) -> (i32)  : i32 {
      %mul3A_101 = arith.constant 640 : i32
      %mul3A_102 = arith.muli %arg1, %mul3A_101 : i32
      %mul3A_103 = arith.constant 128 : i32
      %mul3A_104 = arith.muli %scan3A_99, %mul3A_103 : i32
      %add3A_105 = arith.addi %mul3A_102, %mul3A_104 : i32
      %run_scoped3A = arith.constant 0 : i32
      "tpu.region"() ({
        %run_scoped3A_107 = tpu.sem_alloc : memref<!tpu.dma_semaphore, #tpu.memory_space<semaphore_mem>>
        %dma_start3A_108 = arith.constant 0 : i32
        %dma_start3A_109 = arith.constant 0 : i32
        %dma_start3A_110 = tpu.memref_slice %arg9[%run_scoped3A, %dma_start3A_108, %dma_start3A_109] : memref<2x128x128xf32, #tpu.memory_space<vmem>> -> memref<1x128x128xf32, #tpu.memory_space<vmem>>
        %dma_start3A_111 = tpu.memref_squeeze %dma_start3A_110 : memref<1x128x128xf32, #tpu.memory_space<vmem>> -> memref<128x128xf32, #tpu.memory_space<vmem>>
        %dma_start3A_112 = arith.constant 0 : i32
        %dma_start3A_113 = tpu.memref_slice %arg10[%add3A_105, %dma_start3A_112] : memref<10240x128xf32, #tpu.memory_space<vmem_shared>> -> memref<128x128xf32, #tpu.memory_space<vmem_shared>>
        %dma_start3A_114 = arith.constant 0 : i32
        %dma_start3A_115 = tpu.memref_slice %arg10[%add3A_105, %dma_start3A_114] : memref<10240x128xf32, #tpu.memory_space<vmem_shared>> -> memref<128x128xf32, #tpu.memory_space<vmem_shared>>
        %dma_start3A_116 = arith.constant 0 : i32
        %dma_start3A_117 = arith.constant 0 : i32
        %dma_start3A_118 = tpu.memref_slice %arg9[%run_scoped3A, %dma_start3A_116, %dma_start3A_117] : memref<2x128x128xf32, #tpu.memory_space<vmem>> -> memref<1x128x128xf32, #tpu.memory_space<vmem>>
        %dma_start3A_119 = tpu.memref_squeeze %dma_start3A_118 : memref<1x128x128xf32, #tpu.memory_space<vmem>> -> memref<128x128xf32, #tpu.memory_space<vmem>>
        tpu.enqueue_dma source(%dma_start3A_119 : memref<128x128xf32, #tpu.memory_space<vmem>>) target(%dma_start3A_115 : memref<128x128xf32, #tpu.memory_space<vmem_shared>>) target_semaphore(%run_scoped3A_107 : memref<!tpu.dma_semaphore, #tpu.memory_space<semaphore_mem>>)
        %dma_wait3A_120 = arith.constant 0 : i32
        %dma_wait3A_121 = arith.constant 0 : i32
        %dma_wait3A_122 = tpu.memref_slice %arg9[%run_scoped3A, %dma_wait3A_120, %dma_wait3A_121] : memref<2x128x128xf32, #tpu.memory_space<vmem>> -> memref<1x128x128xf32, #tpu.memory_space<vmem>>
        %dma_wait3A_123 = tpu.memref_squeeze %dma_wait3A_122 : memref<1x128x128xf32, #tpu.memory_space<vmem>> -> memref<128x128xf32, #tpu.memory_space<vmem>>
        %dma_wait3A_124 = arith.constant 0 : i32
        %dma_wait3A_125 = tpu.memref_slice %arg10[%add3A_105, %dma_wait3A_124] : memref<10240x128xf32, #tpu.memory_space<vmem_shared>> -> memref<128x128xf32, #tpu.memory_space<vmem_shared>>
        %dma_wait3A_126 = arith.constant 0 : i32
        %dma_wait3A_127 = tpu.memref_slice %arg10[%add3A_105, %dma_wait3A_126] : memref<10240x128xf32, #tpu.memory_space<vmem_shared>> -> memref<128x128xf32, #tpu.memory_space<vmem_shared>>
        %dma_wait3A_128 = arith.constant 0 : i32
        %dma_wait3A_129 = arith.constant 0 : i32
        %dma_wait3A_130 = tpu.memref_slice %arg9[%run_scoped3A, %dma_wait3A_128, %dma_wait3A_129] : memref<2x128x128xf32, #tpu.memory_space<vmem>> -> memref<1x128x128xf32, #tpu.memory_space<vmem>>
        %dma_wait3A_131 = tpu.memref_squeeze %dma_wait3A_130 : memref<1x128x128xf32, #tpu.memory_space<vmem>> -> memref<128x128xf32, #tpu.memory_space<vmem>>
        tpu.wait_dma2 semaphore(%run_scoped3A_107 : memref<!tpu.dma_semaphore, #tpu.memory_space<semaphore_mem>>) src(%dma_wait3A_131 : memref<128x128xf32, #tpu.memory_space<vmem>>) dst(%dma_wait3A_127 : memref<128x128xf32, #tpu.memory_space<vmem_shared>>)
        tpu.yield
      }) : () -> ()
      %scan3A_106 = arith.constant 0 : i32
      scf.yield %scan3A_106 : i32
    }
    %scan3A_23 = arith.constant 5 : i32
    %dma_wait3A = arith.constant 0 : i32
    %dma_wait3A_24 = tpu.memref_slice %arg4[%mul3A_2, %dma_wait3A] : memref<1280x128xi32, #tpu.memory_space<hbm>> -> memref<40x128xi32, #tpu.memory_space<hbm>>
    %dma_wait3A_25 = arith.constant 0 : i32
    %dma_wait3A_26 = tpu.memref_slice %arg4[%mul3A_2, %dma_wait3A_25] : memref<1280x128xi32, #tpu.memory_space<hbm>> -> memref<40x128xi32, #tpu.memory_space<hbm>>
    tpu.wait_dma2 semaphore(%arg11 : memref<!tpu.dma_semaphore, #tpu.memory_space<semaphore_mem>>) src(%dma_wait3A_26 : memref<40x128xi32, #tpu.memory_space<hbm>>) dst(%arg7 : memref<40x128xi32, #tpu.memory_space<vmem>>)
    %dma_wait3A_27 = arith.constant 0 : i32
    %dma_wait3A_28 = tpu.memref_slice %arg5[%mul3A_2, %dma_wait3A_27] : memref<1280x128xi32, #tpu.memory_space<hbm>> -> memref<40x128xi32, #tpu.memory_space<hbm>>
    %dma_wait3A_29 = arith.constant 0 : i32
    %dma_wait3A_30 = tpu.memref_slice %arg5[%mul3A_2, %dma_wait3A_29] : memref<1280x128xi32, #tpu.memory_space<hbm>> -> memref<40x128xi32, #tpu.memory_space<hbm>>
    tpu.wait_dma2 semaphore(%arg11 : memref<!tpu.dma_semaphore, #tpu.memory_space<semaphore_mem>>) src(%dma_wait3A_30 : memref<40x128xi32, #tpu.memory_space<hbm>>) dst(%arg8 : memref<40x128xi32, #tpu.memory_space<vmem>>)
    %eq3A = arith.constant 0 : i32
    %eq3A_31 = arith.cmpi eq, %arg0, %eq3A : i32
    %convert_element_type3A = arith.extui %eq3A_31 : i1 to i32
    %cond3A = arith.constant 0 : i32
    %cond3A_32 = arith.constant 0 : i32
    %cond3A_33 = arith.cmpi ne, %convert_element_type3A, %cond3A_32 : i32
    scf.if %cond3A_33 {
      %dma_start3A_99 = arith.constant 0 : i32
      %dma_start3A_100 = arith.constant 0 : i32
      %dma_start3A_101 = arith.constant 0 : i32
      %dma_start3A_102 = tpu.memref_slice %arg9[%dma_start3A_99, %dma_start3A_100, %dma_start3A_101] : memref<2x128x128xf32, #tpu.memory_space<vmem>> -> memref<1x128x128xf32, #tpu.memory_space<vmem>>
      %dma_start3A_103 = tpu.memref_squeeze %dma_start3A_102 : memref<1x128x128xf32, #tpu.memory_space<vmem>> -> memref<128x128xf32, #tpu.memory_space<vmem>>
      %dma_start3A_104 = arith.constant 0 : i32
      %dma_start3A_105 = tpu.memref_slice %arg7[%cond3A, %dma_start3A_104] : memref<40x128xi32, #tpu.memory_space<vmem>> -> memref<1x128xi32, #tpu.memory_space<vmem>>
      %dma_start3A_106 = tpu.memref_squeeze %dma_start3A_105 : memref<1x128xi32, #tpu.memory_space<vmem>> -> memref<128xi32, #tpu.memory_space<vmem>>
      %dma_start3A_107 = arith.constant 0 : i32
      %dma_start3A_108 = arith.constant 0 : i32
      %dma_start3A_109 = tpu.memref_slice %arg2[%dma_start3A_107, %dma_start3A_108] : memref<10000x128xf32, #tpu.memory_space<hbm>> -> memref<10000x128xf32, #tpu.memory_space<hbm>>
      tpu.enqueue_indirect_dma source(%dma_start3A_109 : memref<10000x128xf32, #tpu.memory_space<hbm>>) target(%dma_start3A_103 : memref<128x128xf32, #tpu.memory_space<vmem>>) offsets(%dma_start3A_106 : memref<128xi32, #tpu.memory_space<vmem>>) semaphore(%arg12 : memref<!tpu.dma_semaphore, #tpu.memory_space<semaphore_mem>>)
    } else {
    }
    %eq3A_34 = arith.constant 1 : i32
    %eq3A_35 = arith.cmpi eq, %arg0, %eq3A_34 : i32
    %convert_element_type3A_36 = arith.extui %eq3A_35 : i1 to i32
    %cond3A_37 = arith.constant 0 : i32
    %cond3A_38 = arith.constant 0 : i32
    %cond3A_39 = arith.cmpi ne, %convert_element_type3A_36, %cond3A_38 : i32
    scf.if %cond3A_39 {
      %dma_start3A_99 = arith.constant 0 : i32
      %dma_start3A_100 = arith.constant 0 : i32
      %dma_start3A_101 = arith.constant 0 : i32
      %dma_start3A_102 = tpu.memref_slice %arg9[%dma_start3A_99, %dma_start3A_100, %dma_start3A_101] : memref<2x128x128xf32, #tpu.memory_space<vmem>> -> memref<1x128x128xf32, #tpu.memory_space<vmem>>
      %dma_start3A_103 = tpu.memref_squeeze %dma_start3A_102 : memref<1x128x128xf32, #tpu.memory_space<vmem>> -> memref<128x128xf32, #tpu.memory_space<vmem>>
      %dma_start3A_104 = arith.constant 0 : i32
      %dma_start3A_105 = tpu.memref_slice %arg7[%cond3A_37, %dma_start3A_104] : memref<40x128xi32, #tpu.memory_space<vmem>> -> memref<1x128xi32, #tpu.memory_space<vmem>>
      %dma_start3A_106 = tpu.memref_squeeze %dma_start3A_105 : memref<1x128xi32, #tpu.memory_space<vmem>> -> memref<128xi32, #tpu.memory_space<vmem>>
      %dma_start3A_107 = arith.constant 0 : i32
      %dma_start3A_108 = arith.constant 0 : i32
      %dma_start3A_109 = tpu.memref_slice %arg3[%dma_start3A_107, %dma_start3A_108] : memref<10000x128xf32, #tpu.memory_space<hbm>> -> memref<10000x128xf32, #tpu.memory_space<hbm>>
      tpu.enqueue_indirect_dma source(%dma_start3A_109 : memref<10000x128xf32, #tpu.memory_space<hbm>>) target(%dma_start3A_103 : memref<128x128xf32, #tpu.memory_space<vmem>>) offsets(%dma_start3A_106 : memref<128xi32, #tpu.memory_space<vmem>>) semaphore(%arg12 : memref<!tpu.dma_semaphore, #tpu.memory_space<semaphore_mem>>)
    } else {
    }
    %eq3A_40 = arith.constant 0 : i32
    %eq3A_41 = arith.cmpi eq, %arg0, %eq3A_40 : i32
    %convert_element_type3A_42 = arith.extui %eq3A_41 : i1 to i32
    %cond3A_43 = arith.constant 1 : i32
    %cond3A_44 = arith.constant 0 : i32
    %cond3A_45 = arith.cmpi ne, %convert_element_type3A_42, %cond3A_44 : i32
    scf.if %cond3A_45 {
      %dma_start3A_99 = arith.constant 1 : i32
      %dma_start3A_100 = arith.constant 0 : i32
      %dma_start3A_101 = arith.constant 0 : i32
      %dma_start3A_102 = tpu.memref_slice %arg9[%dma_start3A_99, %dma_start3A_100, %dma_start3A_101] : memref<2x128x128xf32, #tpu.memory_space<vmem>> -> memref<1x128x128xf32, #tpu.memory_space<vmem>>
      %dma_start3A_103 = tpu.memref_squeeze %dma_start3A_102 : memref<1x128x128xf32, #tpu.memory_space<vmem>> -> memref<128x128xf32, #tpu.memory_space<vmem>>
      %dma_start3A_104 = arith.constant 0 : i32
      %dma_start3A_105 = tpu.memref_slice %arg7[%cond3A_43, %dma_start3A_104] : memref<40x128xi32, #tpu.memory_space<vmem>> -> memref<1x128xi32, #tpu.memory_space<vmem>>
      %dma_start3A_106 = tpu.memref_squeeze %dma_start3A_105 : memref<1x128xi32, #tpu.memory_space<vmem>> -> memref<128xi32, #tpu.memory_space<vmem>>
      %dma_start3A_107 = arith.constant 0 : i32
      %dma_start3A_108 = arith.constant 0 : i32
      %dma_start3A_109 = tpu.memref_slice %arg2[%dma_start3A_107, %dma_start3A_108] : memref<10000x128xf32, #tpu.memory_space<hbm>> -> memref<10000x128xf32, #tpu.memory_space<hbm>>
      tpu.enqueue_indirect_dma source(%dma_start3A_109 : memref<10000x128xf32, #tpu.memory_space<hbm>>) target(%dma_start3A_103 : memref<128x128xf32, #tpu.memory_space<vmem>>) offsets(%dma_start3A_106 : memref<128xi32, #tpu.memory_space<vmem>>) semaphore(%arg13 : memref<!tpu.dma_semaphore, #tpu.memory_space<semaphore_mem>>)
    } else {
    }
    %eq3A_46 = arith.constant 1 : i32
    %eq3A_47 = arith.cmpi eq, %arg0, %eq3A_46 : i32
    %convert_element_type3A_48 = arith.extui %eq3A_47 : i1 to i32
    %cond3A_49 = arith.constant 1 : i32
    %cond3A_50 = arith.constant 0 : i32
    %cond3A_51 = arith.cmpi ne, %convert_element_type3A_48, %cond3A_50 : i32
    scf.if %cond3A_51 {
      %dma_start3A_99 = arith.constant 1 : i32
      %dma_start3A_100 = arith.constant 0 : i32
      %dma_start3A_101 = arith.constant 0 : i32
      %dma_start3A_102 = tpu.memref_slice %arg9[%dma_start3A_99, %dma_start3A_100, %dma_start3A_101] : memref<2x128x128xf32, #tpu.memory_space<vmem>> -> memref<1x128x128xf32, #tpu.memory_space<vmem>>
      %dma_start3A_103 = tpu.memref_squeeze %dma_start3A_102 : memref<1x128x128xf32, #tpu.memory_space<vmem>> -> memref<128x128xf32, #tpu.memory_space<vmem>>
      %dma_start3A_104 = arith.constant 0 : i32
      %dma_start3A_105 = tpu.memref_slice %arg7[%cond3A_49, %dma_start3A_104] : memref<40x128xi32, #tpu.memory_space<vmem>> -> memref<1x128xi32, #tpu.memory_space<vmem>>
      %dma_start3A_106 = tpu.memref_squeeze %dma_start3A_105 : memref<1x128xi32, #tpu.memory_space<vmem>> -> memref<128xi32, #tpu.memory_space<vmem>>
      %dma_start3A_107 = arith.constant 0 : i32
      %dma_start3A_108 = arith.constant 0 : i32
      %dma_start3A_109 = tpu.memref_slice %arg3[%dma_start3A_107, %dma_start3A_108] : memref<10000x128xf32, #tpu.memory_space<hbm>> -> memref<10000x128xf32, #tpu.memory_space<hbm>>
      tpu.enqueue_indirect_dma source(%dma_start3A_109 : memref<10000x128xf32, #tpu.memory_space<hbm>>) target(%dma_start3A_103 : memref<128x128xf32, #tpu.memory_space<vmem>>) offsets(%dma_start3A_106 : memref<128xi32, #tpu.memory_space<vmem>>) semaphore(%arg13 : memref<!tpu.dma_semaphore, #tpu.memory_space<semaphore_mem>>)
    } else {
    }
    %barrier3A = arith.constant 0 : index
    tpu.barrier barrier_id(%barrier3A)
    %scan3A_52 = arith.constant 0 : i32
    %scan3A_53 = arith.constant 0 : i32
    %scan3A_54 = arith.constant 20 : i32
    %scan3A_55 = arith.addi %scan3A_53, %scan3A_54 : i32
    %scan3A_56 = arith.constant 1 : i32
    %scan3A_57 = scf.for %scan3A_99 = %scan3A_53 to %scan3A_55 step %scan3A_56 iter_args(%scan3A_100 = %scan3A_52) -> (i32)  : i32 {
      %mul3A_101 = arith.constant 2 : i32
      %mul3A_102 = arith.muli %scan3A_99, %mul3A_101 : i32
      %add3A_103 = arith.constant 0 : i32
      %add3A_104 = arith.addi %mul3A_102, %add3A_103 : i32
      %dma_wait3A_105 = arith.constant 0 : i32
      %dma_wait3A_106 = arith.constant 0 : i32
      %dma_wait3A_107 = arith.constant 0 : i32
      %dma_wait3A_108 = tpu.memref_slice %arg9[%dma_wait3A_105, %dma_wait3A_106, %dma_wait3A_107] : memref<2x128x128xf32, #tpu.memory_space<vmem>> -> memref<1x128x128xf32, #tpu.memory_space<vmem>>
      %dma_wait3A_109 = tpu.memref_squeeze %dma_wait3A_108 : memref<1x128x128xf32, #tpu.memory_space<vmem>> -> memref<128x128xf32, #tpu.memory_space<vmem>>
      %dma_wait3A_110 = arith.constant 0 : i32
      %dma_wait3A_111 = arith.constant 0 : i32
      %dma_wait3A_112 = tpu.memref_slice %arg2[%dma_wait3A_110, %dma_wait3A_111] : memref<10000x128xf32, #tpu.memory_space<hbm>> -> memref<128x128xf32, #tpu.memory_space<hbm>>
      %dma_wait3A_113 = arith.constant 0 : i32
      %dma_wait3A_114 = arith.constant 0 : i32
      %dma_wait3A_115 = tpu.memref_slice %arg9[%dma_wait3A_105, %dma_wait3A_113, %dma_wait3A_114] : memref<2x128x128xf32, #tpu.memory_space<vmem>> -> memref<1x128x128xf32, #tpu.memory_space<vmem>>
      %dma_wait3A_116 = tpu.memref_squeeze %dma_wait3A_115 : memref<1x128x128xf32, #tpu.memory_space<vmem>> -> memref<128x128xf32, #tpu.memory_space<vmem>>
      %dma_wait3A_117 = arith.constant 0 : i32
      %dma_wait3A_118 = arith.constant 0 : i32
      %dma_wait3A_119 = tpu.memref_slice %arg2[%dma_wait3A_117, %dma_wait3A_118] : memref<10000x128xf32, #tpu.memory_space<hbm>> -> memref<128x128xf32, #tpu.memory_space<hbm>>
      tpu.wait_dma2 semaphore(%arg12 : memref<!tpu.dma_semaphore, #tpu.memory_space<semaphore_mem>>) src(%dma_wait3A_119 : memref<128x128xf32, #tpu.memory_space<hbm>>) dst(%dma_wait3A_116 : memref<128x128xf32, #tpu.memory_space<vmem>>)
      %run_scoped3A = arith.constant 0 : i32
      "tpu.region"() ({
        %run_scoped3A_154 = tpu.sem_alloc : memref<!tpu.dma_semaphore, #tpu.memory_space<semaphore_mem>>
        %dma_start3A_155 = arith.constant 0 : i32
        %dma_start3A_156 = arith.constant 0 : i32
        %dma_start3A_157 = tpu.memref_slice %arg9[%run_scoped3A, %dma_start3A_155, %dma_start3A_156] : memref<2x128x128xf32, #tpu.memory_space<vmem>> -> memref<1x128x128xf32, #tpu.memory_space<vmem>>
        %dma_start3A_158 = tpu.memref_squeeze %dma_start3A_157 : memref<1x128x128xf32, #tpu.memory_space<vmem>> -> memref<128x128xf32, #tpu.memory_space<vmem>>
        %dma_start3A_159 = arith.constant 0 : i32
        %dma_start3A_160 = tpu.memref_slice %arg8[%add3A_104, %dma_start3A_159] : memref<40x128xi32, #tpu.memory_space<vmem>> -> memref<1x128xi32, #tpu.memory_space<vmem>>
        %dma_start3A_161 = tpu.memref_squeeze %dma_start3A_160 : memref<1x128xi32, #tpu.memory_space<vmem>> -> memref<128xi32, #tpu.memory_space<vmem>>
        %dma_start3A_162 = arith.constant 0 : i32
        %dma_start3A_163 = arith.constant 0 : i32
        %dma_start3A_164 = tpu.memref_slice %arg10[%dma_start3A_162, %dma_start3A_163] : memref<10240x128xf32, #tpu.memory_space<vmem_shared>> -> memref<10240x128xf32, #tpu.memory_space<vmem_shared>>
        tpu.enqueue_indirect_dma source(%dma_start3A_158 : memref<128x128xf32, #tpu.memory_space<vmem>>) target(%dma_start3A_164 : memref<10240x128xf32, #tpu.memory_space<vmem_shared>>) offsets(%dma_start3A_161 : memref<128xi32, #tpu.memory_space<vmem>>) semaphore(%run_scoped3A_154 : memref<!tpu.dma_semaphore, #tpu.memory_space<semaphore_mem>>) {add = true}
        %dma_wait3A_165 = arith.constant 0 : i32
        %dma_wait3A_166 = arith.constant 0 : i32
        %dma_wait3A_167 = tpu.memref_slice %arg9[%run_scoped3A, %dma_wait3A_165, %dma_wait3A_166] : memref<2x128x128xf32, #tpu.memory_space<vmem>> -> memref<1x128x128xf32, #tpu.memory_space<vmem>>
        %dma_wait3A_168 = tpu.memref_squeeze %dma_wait3A_167 : memref<1x128x128xf32, #tpu.memory_space<vmem>> -> memref<128x128xf32, #tpu.memory_space<vmem>>
        %dma_wait3A_169 = arith.constant 0 : i32
        %dma_wait3A_170 = tpu.memref_slice %arg8[%add3A_104, %dma_wait3A_169] : memref<40x128xi32, #tpu.memory_space<vmem>> -> memref<1x128xi32, #tpu.memory_space<vmem>>
        %dma_wait3A_171 = tpu.memref_squeeze %dma_wait3A_170 : memref<1x128xi32, #tpu.memory_space<vmem>> -> memref<128xi32, #tpu.memory_space<vmem>>
        %dma_wait3A_172 = arith.constant 0 : i32
        %dma_wait3A_173 = arith.constant 0 : i32
        %dma_wait3A_174 = tpu.memref_slice %arg10[%dma_wait3A_172, %dma_wait3A_173] : memref<10240x128xf32, #tpu.memory_space<vmem_shared>> -> memref<10240x128xf32, #tpu.memory_space<vmem_shared>>
        tpu.wait_indirect_dma semaphore(%run_scoped3A_154 : memref<!tpu.dma_semaphore, #tpu.memory_space<semaphore_mem>>) src(%dma_wait3A_168 : memref<128x128xf32, #tpu.memory_space<vmem>>) dst(%dma_wait3A_174 : memref<10240x128xf32, #tpu.memory_space<vmem_shared>>)
        tpu.yield
      }) : () -> ()
      %add3A_120 = arith.constant 2 : i32
      %add3A_121 = arith.addi %add3A_104, %add3A_120 : i32
      %lt3A = arith.constant 40 : i32
      %lt3A_122 = arith.cmpi slt, %add3A_121, %lt3A : i32
      %convert_element_type3A_123 = arith.extui %lt3A_122 : i1 to i32
      %cond3A_124 = arith.constant 0 : i32
      %cond3A_125 = arith.cmpi ne, %convert_element_type3A_123, %cond3A_124 : i32
      scf.if %cond3A_125 {
        %add3A_154 = arith.constant 2 : i32
        %add3A_155 = arith.addi %add3A_104, %add3A_154 : i32
        %eq3A_156 = arith.constant 0 : i32
        %eq3A_157 = arith.cmpi eq, %arg0, %eq3A_156 : i32
        %convert_element_type3A_158 = arith.extui %eq3A_157 : i1 to i32
        %cond3A_159 = arith.constant 0 : i32
        %cond3A_160 = arith.cmpi ne, %convert_element_type3A_158, %cond3A_159 : i32
        scf.if %cond3A_160 {
          %dma_start3A_166 = arith.constant 0 : i32
          %dma_start3A_167 = arith.constant 0 : i32
          %dma_start3A_168 = arith.constant 0 : i32
          %dma_start3A_169 = tpu.memref_slice %arg9[%dma_start3A_166, %dma_start3A_167, %dma_start3A_168] : memref<2x128x128xf32, #tpu.memory_space<vmem>> -> memref<1x128x128xf32, #tpu.memory_space<vmem>>
          %dma_start3A_170 = tpu.memref_squeeze %dma_start3A_169 : memref<1x128x128xf32, #tpu.memory_space<vmem>> -> memref<128x128xf32, #tpu.memory_space<vmem>>
          %dma_start3A_171 = arith.constant 0 : i32
          %dma_start3A_172 = tpu.memref_slice %arg7[%add3A_155, %dma_start3A_171] : memref<40x128xi32, #tpu.memory_space<vmem>> -> memref<1x128xi32, #tpu.memory_space<vmem>>
          %dma_start3A_173 = tpu.memref_squeeze %dma_start3A_172 : memref<1x128xi32, #tpu.memory_space<vmem>> -> memref<128xi32, #tpu.memory_space<vmem>>
          %dma_start3A_174 = arith.constant 0 : i32
          %dma_start3A_175 = arith.constant 0 : i32
          %dma_start3A_176 = tpu.memref_slice %arg2[%dma_start3A_174, %dma_start3A_175] : memref<10000x128xf32, #tpu.memory_space<hbm>> -> memref<10000x128xf32, #tpu.memory_space<hbm>>
          tpu.enqueue_indirect_dma source(%dma_start3A_176 : memref<10000x128xf32, #tpu.memory_space<hbm>>) target(%dma_start3A_170 : memref<128x128xf32, #tpu.memory_space<vmem>>) offsets(%dma_start3A_173 : memref<128xi32, #tpu.memory_space<vmem>>) semaphore(%arg12 : memref<!tpu.dma_semaphore, #tpu.memory_space<semaphore_mem>>)
        } else {
        }
        %eq3A_161 = arith.constant 1 : i32
        %eq3A_162 = arith.cmpi eq, %arg0, %eq3A_161 : i32
        %convert_element_type3A_163 = arith.extui %eq3A_162 : i1 to i32
        %cond3A_164 = arith.constant 0 : i32
        %cond3A_165 = arith.cmpi ne, %convert_element_type3A_163, %cond3A_164 : i32
        scf.if %cond3A_165 {
          %dma_start3A_166 = arith.constant 0 : i32
          %dma_start3A_167 = arith.constant 0 : i32
          %dma_start3A_168 = arith.constant 0 : i32
          %dma_start3A_169 = tpu.memref_slice %arg9[%dma_start3A_166, %dma_start3A_167, %dma_start3A_168] : memref<2x128x128xf32, #tpu.memory_space<vmem>> -> memref<1x128x128xf32, #tpu.memory_space<vmem>>
          %dma_start3A_170 = tpu.memref_squeeze %dma_start3A_169 : memref<1x128x128xf32, #tpu.memory_space<vmem>> -> memref<128x128xf32, #tpu.memory_space<vmem>>
          %dma_start3A_171 = arith.constant 0 : i32
          %dma_start3A_172 = tpu.memref_slice %arg7[%add3A_155, %dma_start3A_171] : memref<40x128xi32, #tpu.memory_space<vmem>> -> memref<1x128xi32, #tpu.memory_space<vmem>>
          %dma_start3A_173 = tpu.memref_squeeze %dma_start3A_172 : memref<1x128xi32, #tpu.memory_space<vmem>> -> memref<128xi32, #tpu.memory_space<vmem>>
          %dma_start3A_174 = arith.constant 0 : i32
          %dma_start3A_175 = arith.constant 0 : i32
          %dma_start3A_176 = tpu.memref_slice %arg3[%dma_start3A_174, %dma_start3A_175] : memref<10000x128xf32, #tpu.memory_space<hbm>> -> memref<10000x128xf32, #tpu.memory_space<hbm>>
          tpu.enqueue_indirect_dma source(%dma_start3A_176 : memref<10000x128xf32, #tpu.memory_space<hbm>>) target(%dma_start3A_170 : memref<128x128xf32, #tpu.memory_space<vmem>>) offsets(%dma_start3A_173 : memref<128xi32, #tpu.memory_space<vmem>>) semaphore(%arg12 : memref<!tpu.dma_semaphore, #tpu.memory_space<semaphore_mem>>)
        } else {
        }
      } else {
      }
      %mul3A_126 = arith.constant 2 : i32
      %mul3A_127 = arith.muli %scan3A_99, %mul3A_126 : i32
      %add3A_128 = arith.constant 1 : i32
      %add3A_129 = arith.addi %mul3A_127, %add3A_128 : i32
      %dma_wait3A_130 = arith.constant 1 : i32
      %dma_wait3A_131 = arith.constant 0 : i32
      %dma_wait3A_132 = arith.constant 0 : i32
      %dma_wait3A_133 = tpu.memref_slice %arg9[%dma_wait3A_130, %dma_wait3A_131, %dma_wait3A_132] : memref<2x128x128xf32, #tpu.memory_space<vmem>> -> memref<1x128x128xf32, #tpu.memory_space<vmem>>
      %dma_wait3A_134 = tpu.memref_squeeze %dma_wait3A_133 : memref<1x128x128xf32, #tpu.memory_space<vmem>> -> memref<128x128xf32, #tpu.memory_space<vmem>>
      %dma_wait3A_135 = arith.constant 0 : i32
      %dma_wait3A_136 = arith.constant 0 : i32
      %dma_wait3A_137 = tpu.memref_slice %arg2[%dma_wait3A_135, %dma_wait3A_136] : memref<10000x128xf32, #tpu.memory_space<hbm>> -> memref<128x128xf32, #tpu.memory_space<hbm>>
      %dma_wait3A_138 = arith.constant 0 : i32
      %dma_wait3A_139 = arith.constant 0 : i32
      %dma_wait3A_140 = tpu.memref_slice %arg9[%dma_wait3A_130, %dma_wait3A_138, %dma_wait3A_139] : memref<2x128x128xf32, #tpu.memory_space<vmem>> -> memref<1x128x128xf32, #tpu.memory_space<vmem>>
      %dma_wait3A_141 = tpu.memref_squeeze %dma_wait3A_140 : memref<1x128x128xf32, #tpu.memory_space<vmem>> -> memref<128x128xf32, #tpu.memory_space<vmem>>
      %dma_wait3A_142 = arith.constant 0 : i32
      %dma_wait3A_143 = arith.constant 0 : i32
      %dma_wait3A_144 = tpu.memref_slice %arg2[%dma_wait3A_142, %dma_wait3A_143] : memref<10000x128xf32, #tpu.memory_space<hbm>> -> memref<128x128xf32, #tpu.memory_space<hbm>>
      tpu.wait_dma2 semaphore(%arg13 : memref<!tpu.dma_semaphore, #tpu.memory_space<semaphore_mem>>) src(%dma_wait3A_144 : memref<128x128xf32, #tpu.memory_space<hbm>>) dst(%dma_wait3A_141 : memref<128x128xf32, #tpu.memory_space<vmem>>)
      %run_scoped3A_145 = arith.constant 1 : i32
      "tpu.region"() ({
        %run_scoped3A_154 = tpu.sem_alloc : memref<!tpu.dma_semaphore, #tpu.memory_space<semaphore_mem>>
        %dma_start3A_155 = arith.constant 0 : i32
        %dma_start3A_156 = arith.constant 0 : i32
        %dma_start3A_157 = tpu.memref_slice %arg9[%run_scoped3A_145, %dma_start3A_155, %dma_start3A_156] : memref<2x128x128xf32, #tpu.memory_space<vmem>> -> memref<1x128x128xf32, #tpu.memory_space<vmem>>
        %dma_start3A_158 = tpu.memref_squeeze %dma_start3A_157 : memref<1x128x128xf32, #tpu.memory_space<vmem>> -> memref<128x128xf32, #tpu.memory_space<vmem>>
        %dma_start3A_159 = arith.constant 0 : i32
        %dma_start3A_160 = tpu.memref_slice %arg8[%add3A_129, %dma_start3A_159] : memref<40x128xi32, #tpu.memory_space<vmem>> -> memref<1x128xi32, #tpu.memory_space<vmem>>
        %dma_start3A_161 = tpu.memref_squeeze %dma_start3A_160 : memref<1x128xi32, #tpu.memory_space<vmem>> -> memref<128xi32, #tpu.memory_space<vmem>>
        %dma_start3A_162 = arith.constant 0 : i32
        %dma_start3A_163 = arith.constant 0 : i32
        %dma_start3A_164 = tpu.memref_slice %arg10[%dma_start3A_162, %dma_start3A_163] : memref<10240x128xf32, #tpu.memory_space<vmem_shared>> -> memref<10240x128xf32, #tpu.memory_space<vmem_shared>>
        tpu.enqueue_indirect_dma source(%dma_start3A_158 : memref<128x128xf32, #tpu.memory_space<vmem>>) target(%dma_start3A_164 : memref<10240x128xf32, #tpu.memory_space<vmem_shared>>) offsets(%dma_start3A_161 : memref<128xi32, #tpu.memory_space<vmem>>) semaphore(%run_scoped3A_154 : memref<!tpu.dma_semaphore, #tpu.memory_space<semaphore_mem>>) {add = true}
        %dma_wait3A_165 = arith.constant 0 : i32
        %dma_wait3A_166 = arith.constant 0 : i32
        %dma_wait3A_167 = tpu.memref_slice %arg9[%run_scoped3A_145, %dma_wait3A_165, %dma_wait3A_166] : memref<2x128x128xf32, #tpu.memory_space<vmem>> -> memref<1x128x128xf32, #tpu.memory_space<vmem>>
        %dma_wait3A_168 = tpu.memref_squeeze %dma_wait3A_167 : memref<1x128x128xf32, #tpu.memory_space<vmem>> -> memref<128x128xf32, #tpu.memory_space<vmem>>
        %dma_wait3A_169 = arith.constant 0 : i32
        %dma_wait3A_170 = tpu.memref_slice %arg8[%add3A_129, %dma_wait3A_169] : memref<40x128xi32, #tpu.memory_space<vmem>> -> memref<1x128xi32, #tpu.memory_space<vmem>>
        %dma_wait3A_171 = tpu.memref_squeeze %dma_wait3A_170 : memref<1x128xi32, #tpu.memory_space<vmem>> -> memref<128xi32, #tpu.memory_space<vmem>>
        %dma_wait3A_172 = arith.constant 0 : i32
        %dma_wait3A_173 = arith.constant 0 : i32
        %dma_wait3A_174 = tpu.memref_slice %arg10[%dma_wait3A_172, %dma_wait3A_173] : memref<10240x128xf32, #tpu.memory_space<vmem_shared>> -> memref<10240x128xf32, #tpu.memory_space<vmem_shared>>
        tpu.wait_indirect_dma semaphore(%run_scoped3A_154 : memref<!tpu.dma_semaphore, #tpu.memory_space<semaphore_mem>>) src(%dma_wait3A_168 : memref<128x128xf32, #tpu.memory_space<vmem>>) dst(%dma_wait3A_174 : memref<10240x128xf32, #tpu.memory_space<vmem_shared>>)
        tpu.yield
      }) : () -> ()
      %add3A_146 = arith.constant 2 : i32
      %add3A_147 = arith.addi %add3A_129, %add3A_146 : i32
      %lt3A_148 = arith.constant 40 : i32
      %lt3A_149 = arith.cmpi slt, %add3A_147, %lt3A_148 : i32
      %convert_element_type3A_150 = arith.extui %lt3A_149 : i1 to i32
      %cond3A_151 = arith.constant 0 : i32
      %cond3A_152 = arith.cmpi ne, %convert_element_type3A_150, %cond3A_151 : i32
      scf.if %cond3A_152 {
        %add3A_154 = arith.constant 2 : i32
        %add3A_155 = arith.addi %add3A_129, %add3A_154 : i32
        %eq3A_156 = arith.constant 0 : i32
        %eq3A_157 = arith.cmpi eq, %arg0, %eq3A_156 : i32
        %convert_element_type3A_158 = arith.extui %eq3A_157 : i1 to i32
        %cond3A_159 = arith.constant 0 : i32
        %cond3A_160 = arith.cmpi ne, %convert_element_type3A_158, %cond3A_159 : i32
        scf.if %cond3A_160 {
          %dma_start3A_166 = arith.constant 1 : i32
          %dma_start3A_167 = arith.constant 0 : i32
          %dma_start3A_168 = arith.constant 0 : i32
          %dma_start3A_169 = tpu.memref_slice %arg9[%dma_start3A_166, %dma_start3A_167, %dma_start3A_168] : memref<2x128x128xf32, #tpu.memory_space<vmem>> -> memref<1x128x128xf32, #tpu.memory_space<vmem>>
          %dma_start3A_170 = tpu.memref_squeeze %dma_start3A_169 : memref<1x128x128xf32, #tpu.memory_space<vmem>> -> memref<128x128xf32, #tpu.memory_space<vmem>>
          %dma_start3A_171 = arith.constant 0 : i32
          %dma_start3A_172 = tpu.memref_slice %arg7[%add3A_155, %dma_start3A_171] : memref<40x128xi32, #tpu.memory_space<vmem>> -> memref<1x128xi32, #tpu.memory_space<vmem>>
          %dma_start3A_173 = tpu.memref_squeeze %dma_start3A_172 : memref<1x128xi32, #tpu.memory_space<vmem>> -> memref<128xi32, #tpu.memory_space<vmem>>
          %dma_start3A_174 = arith.constant 0 : i32
          %dma_start3A_175 = arith.constant 0 : i32
          %dma_start3A_176 = tpu.memref_slice %arg2[%dma_start3A_174, %dma_start3A_175] : memref<10000x128xf32, #tpu.memory_space<hbm>> -> memref<10000x128xf32, #tpu.memory_space<hbm>>
          tpu.enqueue_indirect_dma source(%dma_start3A_176 : memref<10000x128xf32, #tpu.memory_space<hbm>>) target(%dma_start3A_170 : memref<128x128xf32, #tpu.memory_space<vmem>>) offsets(%dma_start3A_173 : memref<128xi32, #tpu.memory_space<vmem>>) semaphore(%arg13 : memref<!tpu.dma_semaphore, #tpu.memory_space<semaphore_mem>>)
        } else {
        }
        %eq3A_161 = arith.constant 1 : i32
        %eq3A_162 = arith.cmpi eq, %arg0, %eq3A_161 : i32
        %convert_element_type3A_163 = arith.extui %eq3A_162 : i1 to i32
        %cond3A_164 = arith.constant 0 : i32
        %cond3A_165 = arith.cmpi ne, %convert_element_type3A_163, %cond3A_164 : i32
        scf.if %cond3A_165 {
          %dma_start3A_166 = arith.constant 1 : i32
          %dma_start3A_167 = arith.constant 0 : i32
          %dma_start3A_168 = arith.constant 0 : i32
          %dma_start3A_169 = tpu.memref_slice %arg9[%dma_start3A_166, %dma_start3A_167, %dma_start3A_168] : memref<2x128x128xf32, #tpu.memory_space<vmem>> -> memref<1x128x128xf32, #tpu.memory_space<vmem>>
          %dma_start3A_170 = tpu.memref_squeeze %dma_start3A_169 : memref<1x128x128xf32, #tpu.memory_space<vmem>> -> memref<128x128xf32, #tpu.memory_space<vmem>>
          %dma_start3A_171 = arith.constant 0 : i32
          %dma_start3A_172 = tpu.memref_slice %arg7[%add3A_155, %dma_start3A_171] : memref<40x128xi32, #tpu.memory_space<vmem>> -> memref<1x128xi32, #tpu.memory_space<vmem>>
          %dma_start3A_173 = tpu.memref_squeeze %dma_start3A_172 : memref<1x128xi32, #tpu.memory_space<vmem>> -> memref<128xi32, #tpu.memory_space<vmem>>
          %dma_start3A_174 = arith.constant 0 : i32
          %dma_start3A_175 = arith.constant 0 : i32
          %dma_start3A_176 = tpu.memref_slice %arg3[%dma_start3A_174, %dma_start3A_175] : memref<10000x128xf32, #tpu.memory_space<hbm>> -> memref<10000x128xf32, #tpu.memory_space<hbm>>
          tpu.enqueue_indirect_dma source(%dma_start3A_176 : memref<10000x128xf32, #tpu.memory_space<hbm>>) target(%dma_start3A_170 : memref<128x128xf32, #tpu.memory_space<vmem>>) offsets(%dma_start3A_173 : memref<128xi32, #tpu.memory_space<vmem>>) semaphore(%arg13 : memref<!tpu.dma_semaphore, #tpu.memory_space<semaphore_mem>>)
        } else {
        }
      } else {
      }
      %scan3A_153 = arith.constant 0 : i32
      scf.yield %scan3A_153 : i32
    }
    %scan3A_58 = arith.constant 20 : i32
    %add3A_59 = arith.constant 40 : i32
    %add3A_60 = arith.addi %mul3A_2, %add3A_59 : i32
    "tpu.region"() ({
      %run_scoped3A = tpu.sem_alloc : memref<!tpu.dma_semaphore, #tpu.memory_space<semaphore_mem>>
      %dma_start3A_99 = arith.constant 0 : i32
      %dma_start3A_100 = tpu.memref_slice %arg4[%add3A_60, %dma_start3A_99] : memref<1280x128xi32, #tpu.memory_space<hbm>> -> memref<40x128xi32, #tpu.memory_space<hbm>>
      %dma_start3A_101 = arith.constant 0 : i32
      %dma_start3A_102 = tpu.memref_slice %arg4[%add3A_60, %dma_start3A_101] : memref<1280x128xi32, #tpu.memory_space<hbm>> -> memref<40x128xi32, #tpu.memory_space<hbm>>
      tpu.enqueue_dma source(%dma_start3A_102 : memref<40x128xi32, #tpu.memory_space<hbm>>) target(%arg7 : memref<40x128xi32, #tpu.memory_space<vmem>>) target_semaphore(%run_scoped3A : memref<!tpu.dma_semaphore, #tpu.memory_space<semaphore_mem>>)
      %dma_wait3A_103 = arith.constant 0 : i32
      %dma_wait3A_104 = tpu.memref_slice %arg4[%add3A_60, %dma_wait3A_103] : memref<1280x128xi32, #tpu.memory_space<hbm>> -> memref<40x128xi32, #tpu.memory_space<hbm>>
      %dma_wait3A_105 = arith.constant 0 : i32
      %dma_wait3A_106 = tpu.memref_slice %arg4[%add3A_60, %dma_wait3A_105] : memref<1280x128xi32, #tpu.memory_space<hbm>> -> memref<40x128xi32, #tpu.memory_space<hbm>>
      tpu.wait_dma2 semaphore(%run_scoped3A : memref<!tpu.dma_semaphore, #tpu.memory_space<semaphore_mem>>) src(%dma_wait3A_106 : memref<40x128xi32, #tpu.memory_space<hbm>>) dst(%arg7 : memref<40x128xi32, #tpu.memory_space<vmem>>)
      tpu.yield
    }) : () -> ()
    %add3A_61 = arith.constant 40 : i32
    %add3A_62 = arith.addi %mul3A_2, %add3A_61 : i32
    "tpu.region"() ({
      %run_scoped3A = tpu.sem_alloc : memref<!tpu.dma_semaphore, #tpu.memory_space<semaphore_mem>>
      %dma_start3A_99 = arith.constant 0 : i32
      %dma_start3A_100 = tpu.memref_slice %arg5[%add3A_62, %dma_start3A_99] : memref<1280x128xi32, #tpu.memory_space<hbm>> -> memref<40x128xi32, #tpu.memory_space<hbm>>
      %dma_start3A_101 = arith.constant 0 : i32
      %dma_start3A_102 = tpu.memref_slice %arg5[%add3A_62, %dma_start3A_101] : memref<1280x128xi32, #tpu.memory_space<hbm>> -> memref<40x128xi32, #tpu.memory_space<hbm>>
      tpu.enqueue_dma source(%dma_start3A_102 : memref<40x128xi32, #tpu.memory_space<hbm>>) target(%arg8 : memref<40x128xi32, #tpu.memory_space<vmem>>) target_semaphore(%run_scoped3A : memref<!tpu.dma_semaphore, #tpu.memory_space<semaphore_mem>>)
      %dma_wait3A_103 = arith.constant 0 : i32
      %dma_wait3A_104 = tpu.memref_slice %arg5[%add3A_62, %dma_wait3A_103] : memref<1280x128xi32, #tpu.memory_space<hbm>> -> memref<40x128xi32, #tpu.memory_space<hbm>>
      %dma_wait3A_105 = arith.constant 0 : i32
      %dma_wait3A_106 = tpu.memref_slice %arg5[%add3A_62, %dma_wait3A_105] : memref<1280x128xi32, #tpu.memory_space<hbm>> -> memref<40x128xi32, #tpu.memory_space<hbm>>
      tpu.wait_dma2 semaphore(%run_scoped3A : memref<!tpu.dma_semaphore, #tpu.memory_space<semaphore_mem>>) src(%dma_wait3A_106 : memref<40x128xi32, #tpu.memory_space<hbm>>) dst(%arg8 : memref<40x128xi32, #tpu.memory_space<vmem>>)
      tpu.yield
    }) : () -> ()
    %eq3A_63 = arith.constant 0 : i32
    %eq3A_64 = arith.cmpi eq, %arg0, %eq3A_63 : i32
    %convert_element_type3A_65 = arith.extui %eq3A_64 : i1 to i32
    %cond3A_66 = arith.constant 0 : i32
    %cond3A_67 = arith.constant 0 : i32
    %cond3A_68 = arith.cmpi ne, %convert_element_type3A_65, %cond3A_67 : i32
    scf.if %cond3A_68 {
      %dma_start3A_99 = arith.constant 0 : i32
      %dma_start3A_100 = arith.constant 0 : i32
      %dma_start3A_101 = arith.constant 0 : i32
      %dma_start3A_102 = tpu.memref_slice %arg9[%dma_start3A_99, %dma_start3A_100, %dma_start3A_101] : memref<2x128x128xf32, #tpu.memory_space<vmem>> -> memref<1x128x128xf32, #tpu.memory_space<vmem>>
      %dma_start3A_103 = tpu.memref_squeeze %dma_start3A_102 : memref<1x128x128xf32, #tpu.memory_space<vmem>> -> memref<128x128xf32, #tpu.memory_space<vmem>>
      %dma_start3A_104 = arith.constant 0 : i32
      %dma_start3A_105 = tpu.memref_slice %arg7[%cond3A_66, %dma_start3A_104] : memref<40x128xi32, #tpu.memory_space<vmem>> -> memref<1x128xi32, #tpu.memory_space<vmem>>
      %dma_start3A_106 = tpu.memref_squeeze %dma_start3A_105 : memref<1x128xi32, #tpu.memory_space<vmem>> -> memref<128xi32, #tpu.memory_space<vmem>>
      %dma_start3A_107 = arith.constant 0 : i32
      %dma_start3A_108 = arith.constant 0 : i32
      %dma_start3A_109 = tpu.memref_slice %arg2[%dma_start3A_107, %dma_start3A_108] : memref<10000x128xf32, #tpu.memory_space<hbm>> -> memref<10000x128xf32, #tpu.memory_space<hbm>>
      tpu.enqueue_indirect_dma source(%dma_start3A_109 : memref<10000x128xf32, #tpu.memory_space<hbm>>) target(%dma_start3A_103 : memref<128x128xf32, #tpu.memory_space<vmem>>) offsets(%dma_start3A_106 : memref<128xi32, #tpu.memory_space<vmem>>) semaphore(%arg12 : memref<!tpu.dma_semaphore, #tpu.memory_space<semaphore_mem>>)
    } else {
    }
    %eq3A_69 = arith.constant 1 : i32
    %eq3A_70 = arith.cmpi eq, %arg0, %eq3A_69 : i32
    %convert_element_type3A_71 = arith.extui %eq3A_70 : i1 to i32
    %cond3A_72 = arith.constant 0 : i32
    %cond3A_73 = arith.constant 0 : i32
    %cond3A_74 = arith.cmpi ne, %convert_element_type3A_71, %cond3A_73 : i32
    scf.if %cond3A_74 {
      %dma_start3A_99 = arith.constant 0 : i32
      %dma_start3A_100 = arith.constant 0 : i32
      %dma_start3A_101 = arith.constant 0 : i32
      %dma_start3A_102 = tpu.memref_slice %arg9[%dma_start3A_99, %dma_start3A_100, %dma_start3A_101] : memref<2x128x128xf32, #tpu.memory_space<vmem>> -> memref<1x128x128xf32, #tpu.memory_space<vmem>>
      %dma_start3A_103 = tpu.memref_squeeze %dma_start3A_102 : memref<1x128x128xf32, #tpu.memory_space<vmem>> -> memref<128x128xf32, #tpu.memory_space<vmem>>
      %dma_start3A_104 = arith.constant 0 : i32
      %dma_start3A_105 = tpu.memref_slice %arg7[%cond3A_72, %dma_start3A_104] : memref<40x128xi32, #tpu.memory_space<vmem>> -> memref<1x128xi32, #tpu.memory_space<vmem>>
      %dma_start3A_106 = tpu.memref_squeeze %dma_start3A_105 : memref<1x128xi32, #tpu.memory_space<vmem>> -> memref<128xi32, #tpu.memory_space<vmem>>
      %dma_start3A_107 = arith.constant 0 : i32
      %dma_start3A_108 = arith.constant 0 : i32
      %dma_start3A_109 = tpu.memref_slice %arg3[%dma_start3A_107, %dma_start3A_108] : memref<10000x128xf32, #tpu.memory_space<hbm>> -> memref<10000x128xf32, #tpu.memory_space<hbm>>
      tpu.enqueue_indirect_dma source(%dma_start3A_109 : memref<10000x128xf32, #tpu.memory_space<hbm>>) target(%dma_start3A_103 : memref<128x128xf32, #tpu.memory_space<vmem>>) offsets(%dma_start3A_106 : memref<128xi32, #tpu.memory_space<vmem>>) semaphore(%arg12 : memref<!tpu.dma_semaphore, #tpu.memory_space<semaphore_mem>>)
    } else {
    }
    %eq3A_75 = arith.constant 0 : i32
    %eq3A_76 = arith.cmpi eq, %arg0, %eq3A_75 : i32
    %convert_element_type3A_77 = arith.extui %eq3A_76 : i1 to i32
    %cond3A_78 = arith.constant 1 : i32
    %cond3A_79 = arith.constant 0 : i32
    %cond3A_80 = arith.cmpi ne, %convert_element_type3A_77, %cond3A_79 : i32
    scf.if %cond3A_80 {
      %dma_start3A_99 = arith.constant 1 : i32
      %dma_start3A_100 = arith.constant 0 : i32
      %dma_start3A_101 = arith.constant 0 : i32
      %dma_start3A_102 = tpu.memref_slice %arg9[%dma_start3A_99, %dma_start3A_100, %dma_start3A_101] : memref<2x128x128xf32, #tpu.memory_space<vmem>> -> memref<1x128x128xf32, #tpu.memory_space<vmem>>
      %dma_start3A_103 = tpu.memref_squeeze %dma_start3A_102 : memref<1x128x128xf32, #tpu.memory_space<vmem>> -> memref<128x128xf32, #tpu.memory_space<vmem>>
      %dma_start3A_104 = arith.constant 0 : i32
      %dma_start3A_105 = tpu.memref_slice %arg7[%cond3A_78, %dma_start3A_104] : memref<40x128xi32, #tpu.memory_space<vmem>> -> memref<1x128xi32, #tpu.memory_space<vmem>>
      %dma_start3A_106 = tpu.memref_squeeze %dma_start3A_105 : memref<1x128xi32, #tpu.memory_space<vmem>> -> memref<128xi32, #tpu.memory_space<vmem>>
      %dma_start3A_107 = arith.constant 0 : i32
      %dma_start3A_108 = arith.constant 0 : i32
      %dma_start3A_109 = tpu.memref_slice %arg2[%dma_start3A_107, %dma_start3A_108] : memref<10000x128xf32, #tpu.memory_space<hbm>> -> memref<10000x128xf32, #tpu.memory_space<hbm>>
      tpu.enqueue_indirect_dma source(%dma_start3A_109 : memref<10000x128xf32, #tpu.memory_space<hbm>>) target(%dma_start3A_103 : memref<128x128xf32, #tpu.memory_space<vmem>>) offsets(%dma_start3A_106 : memref<128xi32, #tpu.memory_space<vmem>>) semaphore(%arg13 : memref<!tpu.dma_semaphore, #tpu.memory_space<semaphore_mem>>)
    } else {
    }
    %eq3A_81 = arith.constant 1 : i32
    %eq3A_82 = arith.cmpi eq, %arg0, %eq3A_81 : i32
    %convert_element_type3A_83 = arith.extui %eq3A_82 : i1 to i32
    %cond3A_84 = arith.constant 1 : i32
    %cond3A_85 = arith.constant 0 : i32
    %cond3A_86 = arith.cmpi ne, %convert_element_type3A_83, %cond3A_85 : i32
    scf.if %cond3A_86 {
      %dma_start3A_99 = arith.constant 1 : i32
      %dma_start3A_100 = arith.constant 0 : i32
      %dma_start3A_101 = arith.constant 0 : i32
      %dma_start3A_102 = tpu.memref_slice %arg9[%dma_start3A_99, %dma_start3A_100, %dma_start3A_101] : memref<2x128x128xf32, #tpu.memory_space<vmem>> -> memref<1x128x128xf32, #tpu.memory_space<vmem>>
      %dma_start3A_103 = tpu.memref_squeeze %dma_start3A_102 : memref<1x128x128xf32, #tpu.memory_space<vmem>> -> memref<128x128xf32, #tpu.memory_space<vmem>>
      %dma_start3A_104 = arith.constant 0 : i32
      %dma_start3A_105 = tpu.memref_slice %arg7[%cond3A_84, %dma_start3A_104] : memref<40x128xi32, #tpu.memory_space<vmem>> -> memref<1x128xi32, #tpu.memory_space<vmem>>
      %dma_start3A_106 = tpu.memref_squeeze %dma_start3A_105 : memref<1x128xi32, #tpu.memory_space<vmem>> -> memref<128xi32, #tpu.memory_space<vmem>>
      %dma_start3A_107 = arith.constant 0 : i32
      %dma_start3A_108 = arith.constant 0 : i32
      %dma_start3A_109 = tpu.memref_slice %arg3[%dma_start3A_107, %dma_start3A_108] : memref<10000x128xf32, #tpu.memory_space<hbm>> -> memref<10000x128xf32, #tpu.memory_space<hbm>>
      tpu.enqueue_indirect_dma source(%dma_start3A_109 : memref<10000x128xf32, #tpu.memory_space<hbm>>) target(%dma_start3A_103 : memref<128x128xf32, #tpu.memory_space<vmem>>) offsets(%dma_start3A_106 : memref<128xi32, #tpu.memory_space<vmem>>) semaphore(%arg13 : memref<!tpu.dma_semaphore, #tpu.memory_space<semaphore_mem>>)
    } else {
    }
    %scan3A_87 = arith.constant 0 : i32
    %scan3A_88 = arith.constant 0 : i32
    %scan3A_89 = arith.constant 20 : i32
    %scan3A_90 = arith.addi %scan3A_88, %scan3A_89 : i32
    %scan3A_91 = arith.constant 1 : i32
    %scan3A_92 = scf.for %scan3A_99 = %scan3A_88 to %scan3A_90 step %scan3A_91 iter_args(%scan3A_100 = %scan3A_87) -> (i32)  : i32 {
      %mul3A_101 = arith.constant 2 : i32
      %mul3A_102 = arith.muli %scan3A_99, %mul3A_101 : i32
      %add3A_103 = arith.constant 0 : i32
      %add3A_104 = arith.addi %mul3A_102, %add3A_103 : i32
      %dma_wait3A_105 = arith.constant 0 : i32
      %dma_wait3A_106 = arith.constant 0 : i32
      %dma_wait3A_107 = arith.constant 0 : i32
      %dma_wait3A_108 = tpu.memref_slice %arg9[%dma_wait3A_105, %dma_wait3A_106, %dma_wait3A_107] : memref<2x128x128xf32, #tpu.memory_space<vmem>> -> memref<1x128x128xf32, #tpu.memory_space<vmem>>
      %dma_wait3A_109 = tpu.memref_squeeze %dma_wait3A_108 : memref<1x128x128xf32, #tpu.memory_space<vmem>> -> memref<128x128xf32, #tpu.memory_space<vmem>>
      %dma_wait3A_110 = arith.constant 0 : i32
      %dma_wait3A_111 = arith.constant 0 : i32
      %dma_wait3A_112 = tpu.memref_slice %arg2[%dma_wait3A_110, %dma_wait3A_111] : memref<10000x128xf32, #tpu.memory_space<hbm>> -> memref<128x128xf32, #tpu.memory_space<hbm>>
      %dma_wait3A_113 = arith.constant 0 : i32
      %dma_wait3A_114 = arith.constant 0 : i32
      %dma_wait3A_115 = tpu.memref_slice %arg9[%dma_wait3A_105, %dma_wait3A_113, %dma_wait3A_114] : memref<2x128x128xf32, #tpu.memory_space<vmem>> -> memref<1x128x128xf32, #tpu.memory_space<vmem>>
      %dma_wait3A_116 = tpu.memref_squeeze %dma_wait3A_115 : memref<1x128x128xf32, #tpu.memory_space<vmem>> -> memref<128x128xf32, #tpu.memory_space<vmem>>
      %dma_wait3A_117 = arith.constant 0 : i32
      %dma_wait3A_118 = arith.constant 0 : i32
      %dma_wait3A_119 = tpu.memref_slice %arg2[%dma_wait3A_117, %dma_wait3A_118] : memref<10000x128xf32, #tpu.memory_space<hbm>> -> memref<128x128xf32, #tpu.memory_space<hbm>>
      tpu.wait_dma2 semaphore(%arg12 : memref<!tpu.dma_semaphore, #tpu.memory_space<semaphore_mem>>) src(%dma_wait3A_119 : memref<128x128xf32, #tpu.memory_space<hbm>>) dst(%dma_wait3A_116 : memref<128x128xf32, #tpu.memory_space<vmem>>)
      %run_scoped3A = arith.constant 0 : i32
      "tpu.region"() ({
        %run_scoped3A_154 = tpu.sem_alloc : memref<!tpu.dma_semaphore, #tpu.memory_space<semaphore_mem>>
        %dma_start3A_155 = arith.constant 0 : i32
        %dma_start3A_156 = arith.constant 0 : i32
        %dma_start3A_157 = tpu.memref_slice %arg9[%run_scoped3A, %dma_start3A_155, %dma_start3A_156] : memref<2x128x128xf32, #tpu.memory_space<vmem>> -> memref<1x128x128xf32, #tpu.memory_space<vmem>>
        %dma_start3A_158 = tpu.memref_squeeze %dma_start3A_157 : memref<1x128x128xf32, #tpu.memory_space<vmem>> -> memref<128x128xf32, #tpu.memory_space<vmem>>
        %dma_start3A_159 = arith.constant 0 : i32
        %dma_start3A_160 = tpu.memref_slice %arg8[%add3A_104, %dma_start3A_159] : memref<40x128xi32, #tpu.memory_space<vmem>> -> memref<1x128xi32, #tpu.memory_space<vmem>>
        %dma_start3A_161 = tpu.memref_squeeze %dma_start3A_160 : memref<1x128xi32, #tpu.memory_space<vmem>> -> memref<128xi32, #tpu.memory_space<vmem>>
        %dma_start3A_162 = arith.constant 0 : i32
        %dma_start3A_163 = arith.constant 0 : i32
        %dma_start3A_164 = tpu.memref_slice %arg10[%dma_start3A_162, %dma_start3A_163] : memref<10240x128xf32, #tpu.memory_space<vmem_shared>> -> memref<10240x128xf32, #tpu.memory_space<vmem_shared>>
        tpu.enqueue_indirect_dma source(%dma_start3A_158 : memref<128x128xf32, #tpu.memory_space<vmem>>) target(%dma_start3A_164 : memref<10240x128xf32, #tpu.memory_space<vmem_shared>>) offsets(%dma_start3A_161 : memref<128xi32, #tpu.memory_space<vmem>>) semaphore(%run_scoped3A_154 : memref<!tpu.dma_semaphore, #tpu.memory_space<semaphore_mem>>) {add = true}
        %dma_wait3A_165 = arith.constant 0 : i32
        %dma_wait3A_166 = arith.constant 0 : i32
        %dma_wait3A_167 = tpu.memref_slice %arg9[%run_scoped3A, %dma_wait3A_165, %dma_wait3A_166] : memref<2x128x128xf32, #tpu.memory_space<vmem>> -> memref<1x128x128xf32, #tpu.memory_space<vmem>>
        %dma_wait3A_168 = tpu.memref_squeeze %dma_wait3A_167 : memref<1x128x128xf32, #tpu.memory_space<vmem>> -> memref<128x128xf32, #tpu.memory_space<vmem>>
        %dma_wait3A_169 = arith.constant 0 : i32
        %dma_wait3A_170 = tpu.memref_slice %arg8[%add3A_104, %dma_wait3A_169] : memref<40x128xi32, #tpu.memory_space<vmem>> -> memref<1x128xi32, #tpu.memory_space<vmem>>
        %dma_wait3A_171 = tpu.memref_squeeze %dma_wait3A_170 : memref<1x128xi32, #tpu.memory_space<vmem>> -> memref<128xi32, #tpu.memory_space<vmem>>
        %dma_wait3A_172 = arith.constant 0 : i32
        %dma_wait3A_173 = arith.constant 0 : i32
        %dma_wait3A_174 = tpu.memref_slice %arg10[%dma_wait3A_172, %dma_wait3A_173] : memref<10240x128xf32, #tpu.memory_space<vmem_shared>> -> memref<10240x128xf32, #tpu.memory_space<vmem_shared>>
        tpu.wait_indirect_dma semaphore(%run_scoped3A_154 : memref<!tpu.dma_semaphore, #tpu.memory_space<semaphore_mem>>) src(%dma_wait3A_168 : memref<128x128xf32, #tpu.memory_space<vmem>>) dst(%dma_wait3A_174 : memref<10240x128xf32, #tpu.memory_space<vmem_shared>>)
        tpu.yield
      }) : () -> ()
      %add3A_120 = arith.constant 2 : i32
      %add3A_121 = arith.addi %add3A_104, %add3A_120 : i32
      %lt3A = arith.constant 40 : i32
      %lt3A_122 = arith.cmpi slt, %add3A_121, %lt3A : i32
      %convert_element_type3A_123 = arith.extui %lt3A_122 : i1 to i32
      %cond3A_124 = arith.constant 0 : i32
      %cond3A_125 = arith.cmpi ne, %convert_element_type3A_123, %cond3A_124 : i32
      scf.if %cond3A_125 {
        %add3A_154 = arith.constant 2 : i32
        %add3A_155 = arith.addi %add3A_104, %add3A_154 : i32
        %eq3A_156 = arith.constant 0 : i32
        %eq3A_157 = arith.cmpi eq, %arg0, %eq3A_156 : i32
        %convert_element_type3A_158 = arith.extui %eq3A_157 : i1 to i32
        %cond3A_159 = arith.constant 0 : i32
        %cond3A_160 = arith.cmpi ne, %convert_element_type3A_158, %cond3A_159 : i32
        scf.if %cond3A_160 {
          %dma_start3A_166 = arith.constant 0 : i32
          %dma_start3A_167 = arith.constant 0 : i32
          %dma_start3A_168 = arith.constant 0 : i32
          %dma_start3A_169 = tpu.memref_slice %arg9[%dma_start3A_166, %dma_start3A_167, %dma_start3A_168] : memref<2x128x128xf32, #tpu.memory_space<vmem>> -> memref<1x128x128xf32, #tpu.memory_space<vmem>>
          %dma_start3A_170 = tpu.memref_squeeze %dma_start3A_169 : memref<1x128x128xf32, #tpu.memory_space<vmem>> -> memref<128x128xf32, #tpu.memory_space<vmem>>
          %dma_start3A_171 = arith.constant 0 : i32
          %dma_start3A_172 = tpu.memref_slice %arg7[%add3A_155, %dma_start3A_171] : memref<40x128xi32, #tpu.memory_space<vmem>> -> memref<1x128xi32, #tpu.memory_space<vmem>>
          %dma_start3A_173 = tpu.memref_squeeze %dma_start3A_172 : memref<1x128xi32, #tpu.memory_space<vmem>> -> memref<128xi32, #tpu.memory_space<vmem>>
          %dma_start3A_174 = arith.constant 0 : i32
          %dma_start3A_175 = arith.constant 0 : i32
          %dma_start3A_176 = tpu.memref_slice %arg2[%dma_start3A_174, %dma_start3A_175] : memref<10000x128xf32, #tpu.memory_space<hbm>> -> memref<10000x128xf32, #tpu.memory_space<hbm>>
          tpu.enqueue_indirect_dma source(%dma_start3A_176 : memref<10000x128xf32, #tpu.memory_space<hbm>>) target(%dma_start3A_170 : memref<128x128xf32, #tpu.memory_space<vmem>>) offsets(%dma_start3A_173 : memref<128xi32, #tpu.memory_space<vmem>>) semaphore(%arg12 : memref<!tpu.dma_semaphore, #tpu.memory_space<semaphore_mem>>)
        } else {
        }
        %eq3A_161 = arith.constant 1 : i32
        %eq3A_162 = arith.cmpi eq, %arg0, %eq3A_161 : i32
        %convert_element_type3A_163 = arith.extui %eq3A_162 : i1 to i32
        %cond3A_164 = arith.constant 0 : i32
        %cond3A_165 = arith.cmpi ne, %convert_element_type3A_163, %cond3A_164 : i32
        scf.if %cond3A_165 {
          %dma_start3A_166 = arith.constant 0 : i32
          %dma_start3A_167 = arith.constant 0 : i32
          %dma_start3A_168 = arith.constant 0 : i32
          %dma_start3A_169 = tpu.memref_slice %arg9[%dma_start3A_166, %dma_start3A_167, %dma_start3A_168] : memref<2x128x128xf32, #tpu.memory_space<vmem>> -> memref<1x128x128xf32, #tpu.memory_space<vmem>>
          %dma_start3A_170 = tpu.memref_squeeze %dma_start3A_169 : memref<1x128x128xf32, #tpu.memory_space<vmem>> -> memref<128x128xf32, #tpu.memory_space<vmem>>
          %dma_start3A_171 = arith.constant 0 : i32
          %dma_start3A_172 = tpu.memref_slice %arg7[%add3A_155, %dma_start3A_171] : memref<40x128xi32, #tpu.memory_space<vmem>> -> memref<1x128xi32, #tpu.memory_space<vmem>>
          %dma_start3A_173 = tpu.memref_squeeze %dma_start3A_172 : memref<1x128xi32, #tpu.memory_space<vmem>> -> memref<128xi32, #tpu.memory_space<vmem>>
          %dma_start3A_174 = arith.constant 0 : i32
          %dma_start3A_175 = arith.constant 0 : i32
          %dma_start3A_176 = tpu.memref_slice %arg3[%dma_start3A_174, %dma_start3A_175] : memref<10000x128xf32, #tpu.memory_space<hbm>> -> memref<10000x128xf32, #tpu.memory_space<hbm>>
          tpu.enqueue_indirect_dma source(%dma_start3A_176 : memref<10000x128xf32, #tpu.memory_space<hbm>>) target(%dma_start3A_170 : memref<128x128xf32, #tpu.memory_space<vmem>>) offsets(%dma_start3A_173 : memref<128xi32, #tpu.memory_space<vmem>>) semaphore(%arg12 : memref<!tpu.dma_semaphore, #tpu.memory_space<semaphore_mem>>)
        } else {
        }
      } else {
      }
      %mul3A_126 = arith.constant 2 : i32
      %mul3A_127 = arith.muli %scan3A_99, %mul3A_126 : i32
      %add3A_128 = arith.constant 1 : i32
      %add3A_129 = arith.addi %mul3A_127, %add3A_128 : i32
      %dma_wait3A_130 = arith.constant 1 : i32
      %dma_wait3A_131 = arith.constant 0 : i32
      %dma_wait3A_132 = arith.constant 0 : i32
      %dma_wait3A_133 = tpu.memref_slice %arg9[%dma_wait3A_130, %dma_wait3A_131, %dma_wait3A_132] : memref<2x128x128xf32, #tpu.memory_space<vmem>> -> memref<1x128x128xf32, #tpu.memory_space<vmem>>
      %dma_wait3A_134 = tpu.memref_squeeze %dma_wait3A_133 : memref<1x128x128xf32, #tpu.memory_space<vmem>> -> memref<128x128xf32, #tpu.memory_space<vmem>>
      %dma_wait3A_135 = arith.constant 0 : i32
      %dma_wait3A_136 = arith.constant 0 : i32
      %dma_wait3A_137 = tpu.memref_slice %arg2[%dma_wait3A_135, %dma_wait3A_136] : memref<10000x128xf32, #tpu.memory_space<hbm>> -> memref<128x128xf32, #tpu.memory_space<hbm>>
      %dma_wait3A_138 = arith.constant 0 : i32
      %dma_wait3A_139 = arith.constant 0 : i32
      %dma_wait3A_140 = tpu.memref_slice %arg9[%dma_wait3A_130, %dma_wait3A_138, %dma_wait3A_139] : memref<2x128x128xf32, #tpu.memory_space<vmem>> -> memref<1x128x128xf32, #tpu.memory_space<vmem>>
      %dma_wait3A_141 = tpu.memref_squeeze %dma_wait3A_140 : memref<1x128x128xf32, #tpu.memory_space<vmem>> -> memref<128x128xf32, #tpu.memory_space<vmem>>
      %dma_wait3A_142 = arith.constant 0 : i32
      %dma_wait3A_143 = arith.constant 0 : i32
      %dma_wait3A_144 = tpu.memref_slice %arg2[%dma_wait3A_142, %dma_wait3A_143] : memref<10000x128xf32, #tpu.memory_space<hbm>> -> memref<128x128xf32, #tpu.memory_space<hbm>>
      tpu.wait_dma2 semaphore(%arg13 : memref<!tpu.dma_semaphore, #tpu.memory_space<semaphore_mem>>) src(%dma_wait3A_144 : memref<128x128xf32, #tpu.memory_space<hbm>>) dst(%dma_wait3A_141 : memref<128x128xf32, #tpu.memory_space<vmem>>)
      %run_scoped3A_145 = arith.constant 1 : i32
      "tpu.region"() ({
        %run_scoped3A_154 = tpu.sem_alloc : memref<!tpu.dma_semaphore, #tpu.memory_space<semaphore_mem>>
        %dma_start3A_155 = arith.constant 0 : i32
        %dma_start3A_156 = arith.constant 0 : i32
        %dma_start3A_157 = tpu.memref_slice %arg9[%run_scoped3A_145, %dma_start3A_155, %dma_start3A_156] : memref<2x128x128xf32, #tpu.memory_space<vmem>> -> memref<1x128x128xf32, #tpu.memory_space<vmem>>
        %dma_start3A_158 = tpu.memref_squeeze %dma_start3A_157 : memref<1x128x128xf32, #tpu.memory_space<vmem>> -> memref<128x128xf32, #tpu.memory_space<vmem>>
        %dma_start3A_159 = arith.constant 0 : i32
        %dma_start3A_160 = tpu.memref_slice %arg8[%add3A_129, %dma_start3A_159] : memref<40x128xi32, #tpu.memory_space<vmem>> -> memref<1x128xi32, #tpu.memory_space<vmem>>
        %dma_start3A_161 = tpu.memref_squeeze %dma_start3A_160 : memref<1x128xi32, #tpu.memory_space<vmem>> -> memref<128xi32, #tpu.memory_space<vmem>>
        %dma_start3A_162 = arith.constant 0 : i32
        %dma_start3A_163 = arith.constant 0 : i32
        %dma_start3A_164 = tpu.memref_slice %arg10[%dma_start3A_162, %dma_start3A_163] : memref<10240x128xf32, #tpu.memory_space<vmem_shared>> -> memref<10240x128xf32, #tpu.memory_space<vmem_shared>>
        tpu.enqueue_indirect_dma source(%dma_start3A_158 : memref<128x128xf32, #tpu.memory_space<vmem>>) target(%dma_start3A_164 : memref<10240x128xf32, #tpu.memory_space<vmem_shared>>) offsets(%dma_start3A_161 : memref<128xi32, #tpu.memory_space<vmem>>) semaphore(%run_scoped3A_154 : memref<!tpu.dma_semaphore, #tpu.memory_space<semaphore_mem>>) {add = true}
        %dma_wait3A_165 = arith.constant 0 : i32
        %dma_wait3A_166 = arith.constant 0 : i32
        %dma_wait3A_167 = tpu.memref_slice %arg9[%run_scoped3A_145, %dma_wait3A_165, %dma_wait3A_166] : memref<2x128x128xf32, #tpu.memory_space<vmem>> -> memref<1x128x128xf32, #tpu.memory_space<vmem>>
        %dma_wait3A_168 = tpu.memref_squeeze %dma_wait3A_167 : memref<1x128x128xf32, #tpu.memory_space<vmem>> -> memref<128x128xf32, #tpu.memory_space<vmem>>
        %dma_wait3A_169 = arith.constant 0 : i32
        %dma_wait3A_170 = tpu.memref_slice %arg8[%add3A_129, %dma_wait3A_169] : memref<40x128xi32, #tpu.memory_space<vmem>> -> memref<1x128xi32, #tpu.memory_space<vmem>>
        %dma_wait3A_171 = tpu.memref_squeeze %dma_wait3A_170 : memref<1x128xi32, #tpu.memory_space<vmem>> -> memref<128xi32, #tpu.memory_space<vmem>>
        %dma_wait3A_172 = arith.constant 0 : i32
        %dma_wait3A_173 = arith.constant 0 : i32
        %dma_wait3A_174 = tpu.memref_slice %arg10[%dma_wait3A_172, %dma_wait3A_173] : memref<10240x128xf32, #tpu.memory_space<vmem_shared>> -> memref<10240x128xf32, #tpu.memory_space<vmem_shared>>
        tpu.wait_indirect_dma semaphore(%run_scoped3A_154 : memref<!tpu.dma_semaphore, #tpu.memory_space<semaphore_mem>>) src(%dma_wait3A_168 : memref<128x128xf32, #tpu.memory_space<vmem>>) dst(%dma_wait3A_174 : memref<10240x128xf32, #tpu.memory_space<vmem_shared>>)
        tpu.yield
      }) : () -> ()
      %add3A_146 = arith.constant 2 : i32
      %add3A_147 = arith.addi %add3A_129, %add3A_146 : i32
      %lt3A_148 = arith.constant 40 : i32
      %lt3A_149 = arith.cmpi slt, %add3A_147, %lt3A_148 : i32
      %convert_element_type3A_150 = arith.extui %lt3A_149 : i1 to i32
      %cond3A_151 = arith.constant 0 : i32
      %cond3A_152 = arith.cmpi ne, %convert_element_type3A_150, %cond3A_151 : i32
      scf.if %cond3A_152 {
        %add3A_154 = arith.constant 2 : i32
        %add3A_155 = arith.addi %add3A_129, %add3A_154 : i32
        %eq3A_156 = arith.constant 0 : i32
        %eq3A_157 = arith.cmpi eq, %arg0, %eq3A_156 : i32
        %convert_element_type3A_158 = arith.extui %eq3A_157 : i1 to i32
        %cond3A_159 = arith.constant 0 : i32
        %cond3A_160 = arith.cmpi ne, %convert_element_type3A_158, %cond3A_159 : i32
        scf.if %cond3A_160 {
          %dma_start3A_166 = arith.constant 1 : i32
          %dma_start3A_167 = arith.constant 0 : i32
          %dma_start3A_168 = arith.constant 0 : i32
          %dma_start3A_169 = tpu.memref_slice %arg9[%dma_start3A_166, %dma_start3A_167, %dma_start3A_168] : memref<2x128x128xf32, #tpu.memory_space<vmem>> -> memref<1x128x128xf32, #tpu.memory_space<vmem>>
          %dma_start3A_170 = tpu.memref_squeeze %dma_start3A_169 : memref<1x128x128xf32, #tpu.memory_space<vmem>> -> memref<128x128xf32, #tpu.memory_space<vmem>>
          %dma_start3A_171 = arith.constant 0 : i32
          %dma_start3A_172 = tpu.memref_slice %arg7[%add3A_155, %dma_start3A_171] : memref<40x128xi32, #tpu.memory_space<vmem>> -> memref<1x128xi32, #tpu.memory_space<vmem>>
          %dma_start3A_173 = tpu.memref_squeeze %dma_start3A_172 : memref<1x128xi32, #tpu.memory_space<vmem>> -> memref<128xi32, #tpu.memory_space<vmem>>
          %dma_start3A_174 = arith.constant 0 : i32
          %dma_start3A_175 = arith.constant 0 : i32
          %dma_start3A_176 = tpu.memref_slice %arg2[%dma_start3A_174, %dma_start3A_175] : memref<10000x128xf32, #tpu.memory_space<hbm>> -> memref<10000x128xf32, #tpu.memory_space<hbm>>
          tpu.enqueue_indirect_dma source(%dma_start3A_176 : memref<10000x128xf32, #tpu.memory_space<hbm>>) target(%dma_start3A_170 : memref<128x128xf32, #tpu.memory_space<vmem>>) offsets(%dma_start3A_173 : memref<128xi32, #tpu.memory_space<vmem>>) semaphore(%arg13 : memref<!tpu.dma_semaphore, #tpu.memory_space<semaphore_mem>>)
        } else {
        }
        %eq3A_161 = arith.constant 1 : i32
        %eq3A_162 = arith.cmpi eq, %arg0, %eq3A_161 : i32
        %convert_element_type3A_163 = arith.extui %eq3A_162 : i1 to i32
        %cond3A_164 = arith.constant 0 : i32
        %cond3A_165 = arith.cmpi ne, %convert_element_type3A_163, %cond3A_164 : i32
        scf.if %cond3A_165 {
          %dma_start3A_166 = arith.constant 1 : i32
          %dma_start3A_167 = arith.constant 0 : i32
          %dma_start3A_168 = arith.constant 0 : i32
          %dma_start3A_169 = tpu.memref_slice %arg9[%dma_start3A_166, %dma_start3A_167, %dma_start3A_168] : memref<2x128x128xf32, #tpu.memory_space<vmem>> -> memref<1x128x128xf32, #tpu.memory_space<vmem>>
          %dma_start3A_170 = tpu.memref_squeeze %dma_start3A_169 : memref<1x128x128xf32, #tpu.memory_space<vmem>> -> memref<128x128xf32, #tpu.memory_space<vmem>>
          %dma_start3A_171 = arith.constant 0 : i32
          %dma_start3A_172 = tpu.memref_slice %arg7[%add3A_155, %dma_start3A_171] : memref<40x128xi32, #tpu.memory_space<vmem>> -> memref<1x128xi32, #tpu.memory_space<vmem>>
          %dma_start3A_173 = tpu.memref_squeeze %dma_start3A_172 : memref<1x128xi32, #tpu.memory_space<vmem>> -> memref<128xi32, #tpu.memory_space<vmem>>
          %dma_start3A_174 = arith.constant 0 : i32
          %dma_start3A_175 = arith.constant 0 : i32
          %dma_start3A_176 = tpu.memref_slice %arg3[%dma_start3A_174, %dma_start3A_175] : memref<10000x128xf32, #tpu.memory_space<hbm>> -> memref<10000x128xf32, #tpu.memory_space<hbm>>
          tpu.enqueue_indirect_dma source(%dma_start3A_176 : memref<10000x128xf32, #tpu.memory_space<hbm>>) target(%dma_start3A_170 : memref<128x128xf32, #tpu.memory_space<vmem>>) offsets(%dma_start3A_173 : memref<128xi32, #tpu.memory_space<vmem>>) semaphore(%arg13 : memref<!tpu.dma_semaphore, #tpu.memory_space<semaphore_mem>>)
        } else {
        }
      } else {
      }
      %scan3A_153 = arith.constant 0 : i32
      scf.yield %scan3A_153 : i32
    }
    %scan3A_93 = arith.constant 20 : i32
    %barrier3A_94 = arith.constant 0 : index
    tpu.barrier barrier_id(%barrier3A_94)
    %mul3A_95 = arith.constant 640 : i32
    %mul3A_96 = arith.muli %arg1, %mul3A_95 : i32
    %mul3A_97 = arith.constant 640 : i32
    %mul3A_98 = arith.muli %arg1, %mul3A_97 : i32
    "tpu.region"() ({
      %run_scoped3A = tpu.sem_alloc : memref<!tpu.dma_semaphore, #tpu.memory_space<semaphore_mem>>
      %dma_start3A_99 = arith.constant 0 : i32
      %dma_start3A_100 = tpu.memref_slice %arg6[%arg0, %mul3A_98, %dma_start3A_99] : memref<2x10240x128xf32, #tpu.memory_space<hbm>> -> memref<1x640x128xf32, #tpu.memory_space<hbm>>
      %dma_start3A_101 = tpu.memref_squeeze %dma_start3A_100 : memref<1x640x128xf32, #tpu.memory_space<hbm>> -> memref<640x128xf32, #tpu.memory_space<hbm>>
      %dma_start3A_102 = arith.constant 0 : i32
      %dma_start3A_103 = tpu.memref_slice %arg10[%mul3A_96, %dma_start3A_102] : memref<10240x128xf32, #tpu.memory_space<vmem_shared>> -> memref<640x128xf32, #tpu.memory_space<vmem_shared>>
      tpu.enqueue_dma source(%dma_start3A_103 : memref<640x128xf32, #tpu.memory_space<vmem_shared>>) target(%dma_start3A_101 : memref<640x128xf32, #tpu.memory_space<hbm>>) target_semaphore(%run_scoped3A : memref<!tpu.dma_semaphore, #tpu.memory_space<semaphore_mem>>)
      %dma_wait3A_104 = arith.constant 0 : i32
      %dma_wait3A_105 = tpu.memref_slice %arg6[%arg0, %mul3A_98, %dma_wait3A_104] : memref<2x10240x128xf32, #tpu.memory_space<hbm>> -> memref<1x640x128xf32, #tpu.memory_space<hbm>>
      %dma_wait3A_106 = tpu.memref_squeeze %dma_wait3A_105 : memref<1x640x128xf32, #tpu.memory_space<hbm>> -> memref<640x128xf32, #tpu.memory_space<hbm>>
      %dma_wait3A_107 = arith.constant 0 : i32
      %dma_wait3A_108 = tpu.memref_slice %arg10[%mul3A_96, %dma_wait3A_107] : memref<10240x128xf32, #tpu.memory_space<vmem_shared>> -> memref<640x128xf32, #tpu.memory_space<vmem_shared>>
      tpu.wait_dma2 semaphore(%run_scoped3A : memref<!tpu.dma_semaphore, #tpu.memory_space<semaphore_mem>>) src(%dma_wait3A_108 : memref<640x128xf32, #tpu.memory_space<vmem_shared>>) dst(%dma_wait3A_106 : memref<640x128xf32, #tpu.memory_space<hbm>>)
      tpu.yield
    }) : () -> ()
    return
  }
}

module attributes {stable_mosaic.version = 14 : i64} {
  func.func @_mm1_body(%arg0: i32, %arg1: memref<2x1000x128xf32, #tpu.memory_space<vmem>>, %arg2: memref<1000x128xf32, #tpu.memory_space<vmem>>, %arg3: memref<128x256xf32, #tpu.memory_space<vmem>>, %arg4: memref<128x256xf32, #tpu.memory_space<vmem>>, %arg5: memref<1x256xf32, #tpu.memory_space<vmem>>, %arg6: memref<1000x128xf32, #tpu.memory_space<vmem>>, %arg7: memref<1000x128xf32, #tpu.memory_space<vmem>>) attributes {dimension_semantics = [#tpu.dimension_semantics<arbitrary>], iteration_bounds = array<i64: 10>, scalar_prefetch = 0 : i64, scratch_operands = 0 : i64, tpu.core_type = #tpu.core_type<tc>, window_params = [{transform_indices = @transform_0, window_bounds = array<i64: 2, 1000, 128>}, {transform_indices = @transform_1, window_bounds = array<i64: 1000, 128>}, {pipeline_mode = #tpu.pipeline_mode<synchronous>, transform_indices = @transform_2, window_bounds = array<i64: 128, 256>}, {pipeline_mode = #tpu.pipeline_mode<synchronous>, transform_indices = @transform_3, window_bounds = array<i64: 128, 256>}, {pipeline_mode = #tpu.pipeline_mode<synchronous>, transform_indices = @transform_4, window_bounds = array<i64: 1, 256>}, {transform_indices = @transform_5, window_bounds = array<i64: 1000, 128>}, {transform_indices = @transform_6, window_bounds = array<i64: 1000, 128>}]} {
    %get3A = arith.constant 0 : index
    %get3A_0 = arith.constant 0 : index
    %get3A_1 = arith.constant 0 : index
    %get3A_2 = vector.load %arg1[%get3A, %get3A_0, %get3A_1] : memref<2x1000x128xf32, #tpu.memory_space<vmem>>, vector<1x1000x128xf32>
    %get3A_3 = vector.shape_cast %get3A_2 : vector<1x1000x128xf32> to vector<1000x128xf32>
    %get3A_4 = arith.constant 1 : index
    %get3A_5 = arith.constant 0 : index
    %get3A_6 = arith.constant 0 : index
    %get3A_7 = vector.load %arg1[%get3A_4, %get3A_5, %get3A_6] : memref<2x1000x128xf32, #tpu.memory_space<vmem>>, vector<1x1000x128xf32>
    %get3A_8 = vector.shape_cast %get3A_7 : vector<1x1000x128xf32> to vector<1000x128xf32>
    %add3A = arith.addf %get3A_3, %get3A_8 : vector<1000x128xf32>
    %get3A_9 = arith.constant 0 : index
    %get3A_10 = arith.constant 0 : index
    %get3A_11 = vector.load %arg3[%get3A_9, %get3A_10] : memref<128x256xf32, #tpu.memory_space<vmem>>, vector<128x256xf32>
    %dot_general3A = arith.constant dense<0.000000e+00> : vector<1000x256xf32>
    %dot_general3A_12 = tpu.matmul %add3A, %get3A_11, %dot_general3A {dimension_numbers = #tpu.dot_dimension_numbers<[1], [0], [0], [1], [0, 0, 1, 1], [], []>, transpose_lhs_hint = false} : vector<1000x128xf32>, vector<128x256xf32>, vector<1000x256xf32> -> vector<1000x256xf32>
    %get3A_13 = arith.constant 0 : index
    %get3A_14 = arith.constant 0 : index
    %get3A_15 = vector.load %arg2[%get3A_13, %get3A_14] : memref<1000x128xf32, #tpu.memory_space<vmem>>, vector<1000x128xf32>
    %get3A_16 = arith.constant 0 : index
    %get3A_17 = arith.constant 0 : index
    %get3A_18 = vector.load %arg4[%get3A_16, %get3A_17] : memref<128x256xf32, #tpu.memory_space<vmem>>, vector<128x256xf32>
    %dot_general3A_19 = arith.constant dense<0.000000e+00> : vector<1000x256xf32>
    %dot_general3A_20 = tpu.matmul %get3A_15, %get3A_18, %dot_general3A_19 {dimension_numbers = #tpu.dot_dimension_numbers<[1], [0], [0], [1], [0, 0, 1, 1], [], []>, transpose_lhs_hint = false} : vector<1000x128xf32>, vector<128x256xf32>, vector<1000x256xf32> -> vector<1000x256xf32>
    %add3A_21 = arith.addf %dot_general3A_12, %dot_general3A_20 : vector<1000x256xf32>
    %get3A_22 = arith.constant 0 : index
    %get3A_23 = arith.constant 0 : index
    %get3A_24 = vector.load %arg5[%get3A_22, %get3A_23] : memref<1x256xf32, #tpu.memory_space<vmem>>, vector<1x256xf32>
    %add3A_25 = vector.broadcast %get3A_24 : vector<1x256xf32> to vector<1000x256xf32>
    %add3A_26 = arith.addf %add3A_21, %add3A_25 : vector<1000x256xf32>
    %max3A = arith.constant 0.000000e+00 : f32
    %max3A_27 = vector.broadcast %max3A : f32 to vector<1000x256xf32>
    %max3A_28 = arith.maximumf %add3A_26, %max3A_27 : vector<1000x256xf32>
    %slice3A = vector.extract_strided_slice %max3A_28 {offsets = [0, 0], sizes = [1000, 128], strides = [1, 1]} : vector<1000x256xf32> to vector<1000x128xf32>
    %swap3A = arith.constant 0 : index
    %swap3A_29 = arith.constant 0 : index
    %swap3A_30 = vector.load %arg6[%swap3A, %swap3A_29] : memref<1000x128xf32, #tpu.memory_space<vmem>>, vector<1000x128xf32>
    tpu.vector_store %arg6[%swap3A, %swap3A_29], %slice3A {strides = array<i32>} : memref<1000x128xf32, #tpu.memory_space<vmem>>, vector<1000x128xf32>,
    %slice3A_31 = vector.extract_strided_slice %max3A_28 {offsets = [0, 128], sizes = [1000, 128], strides = [1, 1]} : vector<1000x256xf32> to vector<1000x128xf32>
    %swap3A_32 = arith.constant 0 : index
    %swap3A_33 = arith.constant 0 : index
    %swap3A_34 = vector.load %arg7[%swap3A_32, %swap3A_33] : memref<1000x128xf32, #tpu.memory_space<vmem>>, vector<1000x128xf32>
    tpu.vector_store %arg7[%swap3A_32, %swap3A_33], %slice3A_31 {strides = array<i32>} : memref<1000x128xf32, #tpu.memory_space<vmem>>, vector<1000x128xf32>,
    return
  }
  func.func @transform_0(%arg0: i32) -> (i32, i32, i32) {
    %c0_i32 = arith.constant 0 : i32
    %c0_i32_0 = arith.constant 0 : i32
    %c0_i32_1 = arith.constant 0 : i32
    return %c0_i32, %arg0, %c0_i32_0 : i32, i32, i32
  }
  func.func @transform_1(%arg0: i32) -> (i32, i32) {
    %c0_i32 = arith.constant 0 : i32
    %c0_i32_0 = arith.constant 0 : i32
    return %arg0, %c0_i32 : i32, i32
  }
  func.func @transform_2(%arg0: i32) -> (i32, i32) {
    %c0_i32 = arith.constant 0 : i32
    %c0_i32_0 = arith.constant 0 : i32
    %c0_i32_1 = arith.constant 0 : i32
    return %c0_i32, %c0_i32_0 : i32, i32
  }
  func.func @transform_3(%arg0: i32) -> (i32, i32) {
    %c0_i32 = arith.constant 0 : i32
    %c0_i32_0 = arith.constant 0 : i32
    %c0_i32_1 = arith.constant 0 : i32
    return %c0_i32, %c0_i32_0 : i32, i32
  }
  func.func @transform_4(%arg0: i32) -> (i32, i32) {
    %c0_i32 = arith.constant 0 : i32
    %c0_i32_0 = arith.constant 0 : i32
    %c0_i32_1 = arith.constant 0 : i32
    return %c0_i32, %c0_i32_0 : i32, i32
  }
  func.func @transform_5(%arg0: i32) -> (i32, i32) {
    %c0_i32 = arith.constant 0 : i32
    %c0_i32_0 = arith.constant 0 : i32
    return %arg0, %c0_i32 : i32, i32
  }
  func.func @transform_6(%arg0: i32) -> (i32, i32) {
    %c0_i32 = arith.constant 0 : i32
    %c0_i32_0 = arith.constant 0 : i32
    return %arg0, %c0_i32 : i32, i32
  }
}

module attributes {stable_mosaic.version = 14 : i64} {
  func.func @_mm2_body(%arg0: i32, %arg1: memref<2x1000x128xf32, #tpu.memory_space<vmem>>, %arg2: memref<1000x128xf32, #tpu.memory_space<vmem>>, %arg3: memref<1000x128xf32, #tpu.memory_space<vmem>>, %arg4: memref<128x128xf32, #tpu.memory_space<vmem>>, %arg5: memref<128x128xf32, #tpu.memory_space<vmem>>, %arg6: memref<128x128xf32, #tpu.memory_space<vmem>>, %arg7: memref<128x128xf32, #tpu.memory_space<vmem>>, %arg8: memref<1x128xf32, #tpu.memory_space<vmem>>, %arg9: memref<128x2xf32, #tpu.memory_space<vmem>>, %arg10: memref<1x2xf32, #tpu.memory_space<vmem>>, %arg11: memref<1000x2xf32, #tpu.memory_space<vmem>>) attributes {dimension_semantics = [#tpu.dimension_semantics<arbitrary>], iteration_bounds = array<i64: 10>, scalar_prefetch = 0 : i64, scratch_operands = 0 : i64, tpu.core_type = #tpu.core_type<tc>, window_params = [{transform_indices = @transform_0, window_bounds = array<i64: 2, 1000, 128>}, {transform_indices = @transform_1, window_bounds = array<i64: 1000, 128>}, {transform_indices = @transform_2, window_bounds = array<i64: 1000, 128>}, {pipeline_mode = #tpu.pipeline_mode<synchronous>, transform_indices = @transform_3, window_bounds = array<i64: 128, 128>}, {pipeline_mode = #tpu.pipeline_mode<synchronous>, transform_indices = @transform_4, window_bounds = array<i64: 128, 128>}, {pipeline_mode = #tpu.pipeline_mode<synchronous>, transform_indices = @transform_5, window_bounds = array<i64: 128, 128>}, {pipeline_mode = #tpu.pipeline_mode<synchronous>, transform_indices = @transform_6, window_bounds = array<i64: 128, 128>}, {pipeline_mode = #tpu.pipeline_mode<synchronous>, transform_indices = @transform_7, window_bounds = array<i64: 1, 128>}, {pipeline_mode = #tpu.pipeline_mode<synchronous>, transform_indices = @transform_8, window_bounds = array<i64: 128, 2>}, {pipeline_mode = #tpu.pipeline_mode<synchronous>, transform_indices = @transform_9, window_bounds = array<i64: 1, 2>}, {transform_indices = @transform_10, window_bounds = array<i64: 1000, 2>}]} {
    %get3A = arith.constant 0 : index
    %get3A_0 = arith.constant 0 : index
    %get3A_1 = arith.constant 0 : index
    %get3A_2 = vector.load %arg1[%get3A, %get3A_0, %get3A_1] : memref<2x1000x128xf32, #tpu.memory_space<vmem>>, vector<1x1000x128xf32>
    %get3A_3 = vector.shape_cast %get3A_2 : vector<1x1000x128xf32> to vector<1000x128xf32>
    %get3A_4 = arith.constant 0 : index
    %get3A_5 = arith.constant 0 : index
    %get3A_6 = vector.load %arg4[%get3A_4, %get3A_5] : memref<128x128xf32, #tpu.memory_space<vmem>>, vector<128x128xf32>
    %dot_general3A = arith.constant dense<0.000000e+00> : vector<1000x128xf32>
    %dot_general3A_7 = tpu.matmul %get3A_3, %get3A_6, %dot_general3A {dimension_numbers = #tpu.dot_dimension_numbers<[1], [0], [0], [1], [0, 0, 1, 1], [], []>, transpose_lhs_hint = false} : vector<1000x128xf32>, vector<128x128xf32>, vector<1000x128xf32> -> vector<1000x128xf32>
    %get3A_8 = arith.constant 1 : index
    %get3A_9 = arith.constant 0 : index
    %get3A_10 = arith.constant 0 : index
    %get3A_11 = vector.load %arg1[%get3A_8, %get3A_9, %get3A_10] : memref<2x1000x128xf32, #tpu.memory_space<vmem>>, vector<1x1000x128xf32>
    %get3A_12 = vector.shape_cast %get3A_11 : vector<1x1000x128xf32> to vector<1000x128xf32>
    %get3A_13 = arith.constant 0 : index
    %get3A_14 = arith.constant 0 : index
    %get3A_15 = vector.load %arg5[%get3A_13, %get3A_14] : memref<128x128xf32, #tpu.memory_space<vmem>>, vector<128x128xf32>
    %dot_general3A_16 = arith.constant dense<0.000000e+00> : vector<1000x128xf32>
    %dot_general3A_17 = tpu.matmul %get3A_12, %get3A_15, %dot_general3A_16 {dimension_numbers = #tpu.dot_dimension_numbers<[1], [0], [0], [1], [0, 0, 1, 1], [], []>, transpose_lhs_hint = false} : vector<1000x128xf32>, vector<128x128xf32>, vector<1000x128xf32> -> vector<1000x128xf32>
    %add3A = arith.addf %dot_general3A_7, %dot_general3A_17 : vector<1000x128xf32>
    %get3A_18 = arith.constant 0 : index
    %get3A_19 = arith.constant 0 : index
    %get3A_20 = vector.load %arg2[%get3A_18, %get3A_19] : memref<1000x128xf32, #tpu.memory_space<vmem>>, vector<1000x128xf32>
    %get3A_21 = arith.constant 0 : index
    %get3A_22 = arith.constant 0 : index
    %get3A_23 = vector.load %arg6[%get3A_21, %get3A_22] : memref<128x128xf32, #tpu.memory_space<vmem>>, vector<128x128xf32>
    %dot_general3A_24 = arith.constant dense<0.000000e+00> : vector<1000x128xf32>
    %dot_general3A_25 = tpu.matmul %get3A_20, %get3A_23, %dot_general3A_24 {dimension_numbers = #tpu.dot_dimension_numbers<[1], [0], [0], [1], [0, 0, 1, 1], [], []>, transpose_lhs_hint = false} : vector<1000x128xf32>, vector<128x128xf32>, vector<1000x128xf32> -> vector<1000x128xf32>
    %add3A_26 = arith.addf %add3A, %dot_general3A_25 : vector<1000x128xf32>
    %get3A_27 = arith.constant 0 : index
    %get3A_28 = arith.constant 0 : index
    %get3A_29 = vector.load %arg3[%get3A_27, %get3A_28] : memref<1000x128xf32, #tpu.memory_space<vmem>>, vector<1000x128xf32>
    %get3A_30 = arith.constant 0 : index
    %get3A_31 = arith.constant 0 : index
    %get3A_32 = vector.load %arg7[%get3A_30, %get3A_31] : memref<128x128xf32, #tpu.memory_space<vmem>>, vector<128x128xf32>
    %dot_general3A_33 = arith.constant dense<0.000000e+00> : vector<1000x128xf32>
    %dot_general3A_34 = tpu.matmul %get3A_29, %get3A_32, %dot_general3A_33 {dimension_numbers = #tpu.dot_dimension_numbers<[1], [0], [0], [1], [0, 0, 1, 1], [], []>, transpose_lhs_hint = false} : vector<1000x128xf32>, vector<128x128xf32>, vector<1000x128xf32> -> vector<1000x128xf32>
    %add3A_35 = arith.addf %add3A_26, %dot_general3A_34 : vector<1000x128xf32>
    %get3A_36 = arith.constant 0 : index
    %get3A_37 = arith.constant 0 : index
    %get3A_38 = vector.load %arg8[%get3A_36, %get3A_37] : memref<1x128xf32, #tpu.memory_space<vmem>>, vector<1x128xf32>
    %add3A_39 = vector.broadcast %get3A_38 : vector<1x128xf32> to vector<1000x128xf32>
    %add3A_40 = arith.addf %add3A_35, %add3A_39 : vector<1000x128xf32>
    %get3A_41 = arith.constant 0 : index
    %get3A_42 = arith.constant 0 : index
    %get3A_43 = vector.load %arg9[%get3A_41, %get3A_42] : memref<128x2xf32, #tpu.memory_space<vmem>>, vector<128x2xf32>
    %dot_general3A_44 = arith.constant dense<0.000000e+00> : vector<1000x2xf32>
    %dot_general3A_45 = tpu.matmul %add3A_40, %get3A_43, %dot_general3A_44 {dimension_numbers = #tpu.dot_dimension_numbers<[1], [0], [0], [1], [0, 0, 1, 1], [], []>, transpose_lhs_hint = false} : vector<1000x128xf32>, vector<128x2xf32>, vector<1000x2xf32> -> vector<1000x2xf32>
    %get3A_46 = arith.constant 0 : index
    %get3A_47 = arith.constant 0 : index
    %get3A_48 = vector.load %arg10[%get3A_46, %get3A_47] : memref<1x2xf32, #tpu.memory_space<vmem>>, vector<1x2xf32>
    %add3A_49 = vector.broadcast %get3A_48 : vector<1x2xf32> to vector<1000x2xf32>
    %add3A_50 = arith.addf %dot_general3A_45, %add3A_49 : vector<1000x2xf32>
    %swap3A = arith.constant 0 : index
    %swap3A_51 = arith.constant 0 : index
    %swap3A_52 = vector.load %arg11[%swap3A, %swap3A_51] : memref<1000x2xf32, #tpu.memory_space<vmem>>, vector<1000x2xf32>
    tpu.vector_store %arg11[%swap3A, %swap3A_51], %add3A_50 {strides = array<i32>} : memref<1000x2xf32, #tpu.memory_space<vmem>>, vector<1000x2xf32>,
    return
  }
  func.func @transform_0(%arg0: i32) -> (i32, i32, i32) {
    %c0_i32 = arith.constant 0 : i32
    %c0_i32_0 = arith.constant 0 : i32
    %c0_i32_1 = arith.constant 0 : i32
    return %c0_i32, %arg0, %c0_i32_0 : i32, i32, i32
  }
  func.func @transform_1(%arg0: i32) -> (i32, i32) {
    %c0_i32 = arith.constant 0 : i32
    %c0_i32_0 = arith.constant 0 : i32
    return %arg0, %c0_i32 : i32, i32
  }
  func.func @transform_2(%arg0: i32) -> (i32, i32) {
    %c0_i32 = arith.constant 0 : i32
    %c0_i32_0 = arith.constant 0 : i32
    return %arg0, %c0_i32 : i32, i32
  }
  func.func @transform_3(%arg0: i32) -> (i32, i32) {
    %c0_i32 = arith.constant 0 : i32
    %c0_i32_0 = arith.constant 0 : i32
    %c0_i32_1 = arith.constant 0 : i32
    return %c0_i32, %c0_i32_0 : i32, i32
  }
  func.func @transform_4(%arg0: i32) -> (i32, i32) {
    %c0_i32 = arith.constant 0 : i32
    %c0_i32_0 = arith.constant 0 : i32
    %c0_i32_1 = arith.constant 0 : i32
    return %c0_i32, %c0_i32_0 : i32, i32
  }
  func.func @transform_5(%arg0: i32) -> (i32, i32) {
    %c0_i32 = arith.constant 0 : i32
    %c0_i32_0 = arith.constant 0 : i32
    %c0_i32_1 = arith.constant 0 : i32
    return %c0_i32, %c0_i32_0 : i32, i32
  }
  func.func @transform_6(%arg0: i32) -> (i32, i32) {
    %c0_i32 = arith.constant 0 : i32
    %c0_i32_0 = arith.constant 0 : i32
    %c0_i32_1 = arith.constant 0 : i32
    return %c0_i32, %c0_i32_0 : i32, i32
  }
  func.func @transform_7(%arg0: i32) -> (i32, i32) {
    %c0_i32 = arith.constant 0 : i32
    %c0_i32_0 = arith.constant 0 : i32
    %c0_i32_1 = arith.constant 0 : i32
    return %c0_i32, %c0_i32_0 : i32, i32
  }
  func.func @transform_8(%arg0: i32) -> (i32, i32) {
    %c0_i32 = arith.constant 0 : i32
    %c0_i32_0 = arith.constant 0 : i32
    %c0_i32_1 = arith.constant 0 : i32
    return %c0_i32, %c0_i32_0 : i32, i32
  }
  func.func @transform_9(%arg0: i32) -> (i32, i32) {
    %c0_i32 = arith.constant 0 : i32
    %c0_i32_0 = arith.constant 0 : i32
    %c0_i32_1 = arith.constant 0 : i32
    return %c0_i32, %c0_i32_0 : i32, i32
  }
  func.func @transform_10(%arg0: i32) -> (i32, i32) {
    %c0_i32 = arith.constant 0 : i32
    %c0_i32_0 = arith.constant 0 : i32
    return %arg0, %c0_i32 : i32, i32
  }
}

</mosaic_0001>

<sc_bundles>
// kernel: kernel.10.cloned.1.call-start
scs
__scs_entry_jumppad:
0x0: {  	(pc) =	sbr.rel $0x88, $3  }
0x1: {  	(tag) =	ssettag $0x0;
	lr =	simm.s32 $0x1  }
0x2: {  	[smem:$0x3F96] =	sst lr;
	_ =	strace $0xD0000000  }
0x3: {  	_ = 	snop  }
0x4: {  	_ = 	snop  }
0x5: {  	_ = 	snop  }
0x6: {  	_ = 	snop  }
0x7: {  	_ = 	snop  }
__scs_overlays_trampoline_lowered:
0x8: {  	[smem:$0x3FA5] =	sst s0  }
0x9: {  	[smem:$0x3FA6] =	sst s1  }
0xa: {  	[smem:$0x3FA7] =	sst s2  }
0xb: {  	[smem:$0x3FA8] =	sst s3  }
0xc: {  	[smem:$0x3FA9] =	sst s4  }
0xd: {  	[smem:$0x3FAA] =	sst s5  }
0xe: {  	[smem:$0x3FAB] =	sst s6  }
0xf: {  	[smem:$0x3FAC] =	sst s7  }
0x10: {  	[smem:$0x3FAD] =	sst s8  }
0x11: {  	[smem:$0x3FAE] =	sst s9;
	s0 =	simm.s32 @!p0 $0x0  }
0x12: {  	s1 =	sld [smem:$0x3F94];
	s0 =	simm.s32 @p0 $0x1  }
0x13: {  	[smem:$0x3FAF] =	sst s0;
	s0 =	simm.s32 @!p1 $0x0  }
0x14: {  	s2 =	sld [smem:$0x3F93];
	s0 =	simm.s32 @p1 $0x1  }
0x15: {  	[smem:$0x3FB0] =	sst s0;
	s0 =	simm.s32 @!p2 $0x0  }
0x16: {  	s3 =	sld [smem:$0x3FDB];
	s0 =	simm.s32 @p2 $0x1  }
0x17: {  	s4 =	simm.s32 $0x1BF5;
	[smem:$0x3FB2] =	sst s0  }
0x18: {  	s0 =	sld [smem:$0x3F95];
	_ =	swait.ge [sflag:s4], $0x0  }
0x19: {  	s7 =	sld [smem:$0x3F96]  }
0x1a: {  	s8 =	sadd.s32 $0xFFFFE003, lr  }
0x1b: {  	s9 =	sadd.s32 $0xFFFFFEF7, lr;
	s5 =	simm.s32 $0xFFFFFFFF;
	p2 =	slt.u32 s8, $0xFFFFF086  }
0x1c: {  	p1 =	slt.u32 s9, $0xF7A;
	s5 =	simm.s32 @!p2 $0x0  }
0x1d: {  	s5 =	simm.s32 @p1 $0x1;
	p0 =	seq.s32 s7, s2  }
0x1e: {  	s7 =	smul.u32 @!p0 $0xF7A, s2;
	p2 =	seq.s32 @!p0 s5, $0x0  }
0x1f: {  	s9 =	smul.u32 $0xF7A, s1;
	s8 =	simm.s32 @!p0 $0x1BF5;
	p2 =	por !p2, p0  }
0x20: {  	[sflag:s8] =	ssyncset.s32 @!p0 $0xFFFFF086;
	s6 =	sadd.s32 @!p0 s3, s7;
	s7 =	simm.s32 @!p0 $0x108  }
0x21: {  	s3 =	sadd.s32 s3, s9;
	s6 =	sadd.s32 @!p0 $0x88, s6;
	s7 =	simm.s32 @p2 $0x1082  }
0x22: {  	[simem:s7], [sflag:s8] =	dma.local @!p0 [hbm:s6], $0xF7A  }
0x23: {  	s9 =	sor.u32 $0xD0000000, s2;
	s6 =	simm.s32 $0x108;
	_ =	swait.ge @!p0 [sflag:s8], $0x0  }
0x24: {  	s3 =	sadd.s32 $0x88, s3;
	s6 =	simm.s32 @!p1 $0x1082;
	[sflag:s4] =	ssyncset.s32 $0xFFFFF086  }
0x25: {  	[simem:s6], [sflag:s4] =	dma.local [hbm:s3], $0xF7A  }
0x26: {  	[smem:$0x3F96] =	sst s1;
	(tag) =	ssettag s2;
	_ =	strace s9  }
0x27: {  	s1 =	sld [smem:$0x3FA6]  }
0x28: {  	s2 =	sld [smem:$0x3FA7]  }
0x29: {  	s4 =	sld [smem:$0x3FA9]  }
0x2a: {  	p0 =	seq.s32 s5, $0x0;
	s5 =	sld [smem:$0x3FAA]  }
0x2b: {  	s6 =	sld [smem:$0x3FAB]  }
0x2c: {  	s7 =	sld [smem:$0x3FAC]  }
0x2d: {  	s3 =	simm.s32 $0x108;
	s8 =	sld [smem:$0x3FAD]  }
0x2e: {  	s3 =	simm.s32 @!p0 $0x1082;
	s9 =	sld [smem:$0x3FAE]  }
0x2f: {  	lr =	sadd.s32 s0, s3;
	s0 =	sld [smem:$0x3FA5]  }
0x30: {  	s3 =	sld [smem:$0x3FA8]  }
0x31: {  	[smem:$0x3FB1] =	sst s10  }
0x32: {  	s10 =	sld [smem:$0x3FAF];
	_ =	sdelay $0x3  }
0x33: {  	p0 =	seq.s32 s10, $0x1;
	s10 =	sld [smem:$0x3FB1];
	_ =	sdelay $0x3  }
0x34: {  	[smem:$0x3FB1] =	sst s10  }
0x35: {  	s10 =	sld [smem:$0x3FB0];
	_ =	sdelay $0x3  }
0x36: {  	p1 =	seq.s32 s10, $0x1;
	s10 =	sld [smem:$0x3FB1];
	_ =	sdelay $0x3  }
0x37: {  	[smem:$0x3FB1] =	sst s10  }
0x38: {  	s10 =	sld [smem:$0x3FB2]  }
0x39: {  	_ = 	snop;
	(pc) =	sbr.ind lr, $3  }
0x3a: {  	_ = 	snop  }
0x3b: {  	_ = 	snop  }
0x3c: {  	p2 =	seq.s32 s10, $0x1;
	s10 =	sld [smem:$0x3FB1]  }
0x3d: {  	_ =	shalt  }
0x3e: {  	_ =	shalt  }
0x3f: {  	_ =	shalt  }
0x40: {  	_ =	shalt  }
0x41: {  	_ =	shalt  }
0x42: {  	_ =	shalt  }
0x43: {  	_ =	shalt  }
0x44: {  	_ =	shalt  }
0x45: {  	_ =	shalt  }
0x46: {  	_ =	shalt  }
0x47: {  	_ =	shalt  }
0x48: {  	_ =	shalt  }
0x49: {  	_ =	shalt  }
0x4a: {  	_ =	shalt  }
0x4b: {  	_ =	shalt  }
0x4c: {  	_ =	shalt  }
0x4d: {  	_ =	shalt  }
0x4e: {  	_ =	shalt  }
0x4f: {  	_ =	shalt  }
0x50: {  	_ =	shalt  }
0x51: {  	_ =	shalt  }
0x52: {  	_ =	shalt  }
0x53: {  	_ =	shalt  }
0x54: {  	_ =	shalt  }
0x55: {  	_ =	shalt  }
0x56: {  	_ =	shalt  }
0x57: {  	_ =	shalt  }
0x58: {  	_ =	shalt  }
0x59: {  	_ =	shalt  }
0x5a: {  	_ =	shalt  }
0x5b: {  	_ =	shalt  }
0x5c: {  	_ =	shalt  }
0x5d: {  	_ =	shalt  }
0x5e: {  	_ =	shalt  }
0x5f: {  	_ =	shalt  }
0x60: {  	_ =	shalt  }
0x61: {  	_ =	shalt  }
0x62: {  	_ =	shalt  }
0x63: {  	_ =	shalt  }
0x64: {  	_ =	shalt  }
0x65: {  	_ =	shalt  }
0x66: {  	_ =	shalt  }
0x67: {  	_ =	shalt  }
0x68: {  	_ =	shalt  }
0x69: {  	_ =	shalt  }
0x6a: {  	_ =	shalt  }
0x6b: {  	_ =	shalt  }
0x6c: {  	_ =	shalt  }
0x6d: {  	_ =	shalt  }
0x6e: {  	_ =	shalt  }
0x6f: {  	_ =	shalt  }
0x70: {  	_ =	shalt  }
0x71: {  	_ =	shalt  }
0x72: {  	_ =	shalt  }
0x73: {  	_ =	shalt  }
0x74: {  	_ =	shalt  }
0x75: {  	_ =	shalt  }
0x76: {  	_ =	shalt  }
0x77: {  	_ =	shalt  }
0x78: {  	_ =	shalt  }
0x79: {  	_ =	shalt  }
0x7a: {  	_ =	shalt  }
0x7b: {  	_ =	shalt  }
0x7c: {  	_ =	shalt  }
0x7d: {  	_ =	shalt  }
0x7e: {  	_ =	shalt  }
0x7f: {  	_ =	shalt  }
0x80: {  	_ =	shalt  }
0x81: {  	_ =	shalt  }
0x82: {  	_ =	shalt  }
0x83: {  	_ =	shalt  }
0x84: {  	_ =	shalt  }
0x85: {  	_ =	shalt  }
0x86: {  	_ =	shalt  }
0x87: {  	_ =	shalt  }
.Lfunc_end0:
.L_simem_size_0:
called_computation.1_lowered:
.L_overlay_start_0:
0x88: {  	s2 =	sld [smem:$0x3FD9]  }
0x89: {  	s3 =	sld [smem:$0x3FFE];
	_ =	sdelay $0x1  }
0x8a: {  	s1 =	srdreg.scid  }
0x8b: {  	s0 =	sand.u32 $0x1, s1  }
0x8c: {  	s16 =	sshll.u32 s0, $0xA;
	s2 =	sadd.s32 s3, s2  }
0x8d: {  	s2 =	sadd.s32 s2, s16  }
0x8e: {  	[smem:$0x3FBD] =	sst s2  }
0x8f: {  	_ = 	snop  }
0x90: {  	(tm) =	ssettm $0x1  }
0x91: {  	s17 =	sld [smem:$0x3FFB];
	_ =	sdelay $0x3  }
0x92: {  	_ =	strace s17  }
0x93: {  	s2 =	sld [smem:$0x3FFC];
	_ =	sdelay $0x3  }
0x94: {  	_ =	strace s2  }
0x95: {  	s2 =	sld [smem:$0x3FFD];
	_ =	sdelay $0x3  }
0x96: {  	_ =	strace s2  }
0x97: {  	_ =	strace $0x8FFFFFFF  }
0x98: {  	s18 =	sld [smem:$0x3FDB];
	_ =	sdelay $0x1  }
0x99: {  	s19 =	simm.s32 $_scs_section_size  }
0x9a: {  	s4 =	simm.s32 $_size__tile_overlayer_lowered;
	s5 =	simm.s32 $_tile_overlayer_lowered  }
0x9b: {  	s22 =	simm.s32 $0x1BFF;
	s21 =	sshll.u32 s5, $0x1;
	s2 =	sadd.s32 s19, s18  }
0x9c: {  	s6 =	simm.s32 $0x0;
	s20 =	sshll.u32 s4, $0x1;
	s4 =	sadd.s32 s21, s2  }
0x9d: {  	[timem:s6], [sflag:s22] =	dma.local [hbm:s4], s20  }
0x9e: {  	_ =	swait.ge [sflag:s22], s20  }
0x9f: {  	s3 =	ssub.s32 $0x0, s20;
	[sflag:s22] =	ssyncset.done $0x0  }
0xa0: {  	[sflag:s22] =	ssyncadd.s32 s3;
	_ =	sdelay $0x1  }
0xa1: {  	s23 =	simm.s32 $0x1B8B  }
0xa2: {  	_ =	swait.ge [sflag:s23], $0x1  }
0xa3: {  	[sflag:s23] =	ssyncset.done $0x0  }
0xa4: {  	s25 =	simm.s32 $0x1B8E;
	s24 =	sld [smem:$0x3FFE];
	[sflag:s23] =	ssyncadd.s32 $0xFFFFFFFF  }
0xa5: {  	s26 =	simm.s32 $execute0_lowered;
	[smem:$0x3FD2] =	sst s25  }
0xa6: {  	s4 =	sshll.u32 s26, $0x1;
	_ =	strace $0x80000049;
	[dreg:$0x1] =	wrdreg $0xFFFFFFFF  }
0xa7: {  	s28 =	simm.s32 $_size_execute0_lowered;
	s2 =	sadd.s32 s2, s4;
	[dreg:$0x0] =	wrdreg $0x0  }
0xa8: {  	s4 =	sshll.u32 s28, $0x1;
	[dreg:$0x2] =	wrdreg s2  }
0xa9: {  	[dreg:$0x3] =	wrdreg s4  }
0xaa: {  	[dreg:$0x4] =	wrdreg $0xC0  }
0xab: {  	_ =	task [dreg:s6], $0x5FFFF  }
0xac: {  	[dreg:$0x1] =	wrdreg $0xFFFFFFFF  }
0xad: {  	[dreg:$0x0] =	wrdreg $0x60  }
0xae: {  	[dreg:$0x2] =	wrdreg s24  }
0xaf: {  	[dreg:$0x3] =	wrdreg $0xA8000  }
0xb0: {  	[dreg:$0x4] =	wrdreg $0x9  }
0xb1: {  	_ =	task.clear_ibuf [dreg:s6], $0x5FFFF;
	_ =	strace $0x90000049  }
0xb2: {  	s29 =	simm.s32 $0x9;
	_ =	strace $0x8000004B  }
0xb3: {  	_ =	swait.ge [sflag:s29], $0x1  }
0xb4: {  	[sflag:s29] =	ssyncadd.s32 $0xFFFFFFFF  }
0xb5: {  	_ =	strace $0x9000004B  }
0xb6: {  	_ =	sfence  }
0xb7: {  	s30 =	sld [smem:$0x0];
	_ =	sdelay $0x2  }
0xb8: {  	s31 =	sshll.u32 s1, $0xD;
	s1 =	sshrl.u32 s1, $0x2  }
0xb9: {  	s3 =	sand.u32 $0x4000, s31;
	s1 =	sadd.s32 s1, s30  }
0xba: {  	s0 =	sor.u32 s3, s0;
	s1 =	sshll.u32 s1, $0x11  }
0xbb: {  	s0 =	sor.u32 s1, s0  }
0xbc: {  	s0 =	sadd.s32 $0x8F2B, s0  }
0xbd: {  	[sflag:s0] =	ssyncadd.remote.s32 $0x1  }
0xbe: {  	_ =	sfence.sel $0xFFFF  }
0xbf: {  	[dreg:$0x0] =	wrdreg $0xFFFFFFFF;
	(pc) =	sbr.abs _section_cstart, $3  }
0xc0: {  	[dreg:$0x1] =	wrdreg $0xFFFFFFFF  }
0xc1: {  	_ =	task.clear_ibuf [dreg:s6], $0x2FFFF;
	_ =	strace $0x9FFFFFFF  }
0xc2: {  	(tm) =	ssettm $0x7FFFFFFF  }
0xc3: {  	_ =	shalt  }
tec
execute0_lowered:
.L_overlay_start_1:
0x0: {  	(tag) =	ssettag $0x1  }
0x1: {  	s15 =	rddreg [dreg:$0x0]  }
0x2: {  	s1 =	rddreg [dreg:$0x1];
	s2 =	srdreg.scid  }
0x3: {  	s0 =	rddreg [dreg:$0x2];
	s3 =	simm.s32 $0x0;
	s16 =	simm.s32 $0xCE00  }
0x4: {  	s17 =	simm.s32 $0x2800;
	s18 =	simm.s32 $0x4;
	s19 =	simm.s32 $0x1  }
0x5: {  	s20 =	simm.s32 $0x80;
	s21 =	simm.s32 $0x6800;
	s22 =	simm.s32 $0x2  }
0x6: {  	s23 =	simm.s32 $0x3;
	s24 =	simm.s32 $0x2700;
	s7 =	sand.u32 $0x1, s2  }
0x7: {  	s25 =	simm.s32 $0x2780;
	s2 =	stileid.u32;
	s4 =	smul.u32 $0x140000, s7  }
0x8: {  	[smem:$0x7FF] =	sst s3;
	s8 =	sadd.s32 $0x2E00, s15;
	s5 =	smul.u32 $0x14000, s2  }
0x9: {  	s9 =	sadd.s32 $0x7E00, s15;
	_ =	strace $0x8000004A;
	s26 =	smul.u32 $0x500, s2  }
0xa: {  	s6 =	ssub.s32 $0x2, s7;
	s10 =	smul.u32 $0x2800, s2;
	p0 =	seq.s32 s7, $0x0  }
0xb: {  	s12 =	smul.u32 $0x50000, s2;
	s28 =	sshrl.u32 s6, $0x1;
	s16 =	simm.s32 @!p0 $0x34000  }
0xc: {  	s4 =	sadd.s32 s5, s4;
	s13 =	ssub.s32 s6, s28;
	s29 =	sshrl.u32 s10, $0x3  }
0xd: {  	s5 =	sadd.s32 s9, s26;
	s30 =	sshrl.u32 s12, $0x2;
	s4 =	sshrl.u32 s4, $0x3  }
0xe: {  	s31 =	sadd.s32 $0x280, s29;
	s6 =	sadd.s32 s30, s1;
	s10 =	smax.u32 s13, $0x1  }
0xf: {  	s11 =	sadd.s32 s4, s15;
	s4 =	sadd.s32 s8, s26;
	s7 =	sadd.s32 s8, s31  }
0x10: {  	s8 =	sadd.s32 s9, s31;
	s12 =	sadd.s32 $0x8000, s6;
	s13 =	sadd.s32 $0xC000, s6  }
0x11: {  	s14 =	sadd.s32 $0x10000, s6;
	s15 =	sadd.s32 s16, s15;
	s16 =	simm.s32 $0x1400  }
0x12: {  	v0 =	vimm.f32 $0.0e+00;
	s26 =	simm.s32 $0x0;
	s9 =	sadd.s32 $0x5B200, s11;
	s11 =	sadd.s32 $0x4000, s6  }
.LBB2_1:
0x13: {  	[tilespmem:s3], [sflag:$0x1] =	stream.linear.gather [hbm4b:s4+s3], $0x1400, $0x38;
	[tilespmem:$0x1E800] =	vst v63  }
0x14: {  	s28 =	simm.s32 $0x0;
	s29 =	simm.s32 $0x200  }
0x15: {  	[tilespmem:s16], [sflag:$0x1] =	stream.linear.gather [hbm4b:s5+s3], $0x1400, $0x38;
	[tilespmem:$0x1E800] =	vst v63  }
.LBB2_2:
0x16: {  	p0 =	sne.s32 s29, $0xFE00;
	[tilespmem:s28+$0x2870] =	vst v0  }
0x17: {  	[tilespmem:s28+$0x2800] =	vst v0  }
0x18: {  	[tilespmem:s28+$0x2810] =	vst v0  }
.Ltmp0:
0x19: {  	[tilespmem:s28+$0x2820] =	vst v0;
	(pc) =	sbr.rel @p0 .LBB2_2-.Ltmp0, $4  }
0x1a: {  	[tilespmem:s28+$0x2830] =	vst v0  }
0x1b: {  	[tilespmem:s28+$0x2840] =	vst v0  }
0x1c: {  	[tilespmem:s28+$0x2850] =	vst v0  }
0x1d: {  	[tilespmem:s28+$0x2860] =	vst v0;
	s28 =	sshra.s32 s29, $0x2;
	s29 =	sadd.s32 $0x200, s29  }
0x1e: {  	[tilespmem:s28+$0x2870] =	vst v0  }
0x1f: {  	[tilespmem:s28+$0x2800] =	vst v0  }
0x20: {  	[tilespmem:s28+$0x2810] =	vst v0  }
0x21: {  	[tilespmem:s28+$0x2820] =	vst v0  }
0x22: {  	[tilespmem:s28+$0x2830] =	vst v0  }
0x23: {  	[tilespmem:s28+$0x2840] =	vst v0  }
0x24: {  	[tilespmem:s28+$0x2850] =	vst v0  }
0x25: {  	[tilespmem:s28+$0x2860] =	vst v0  }
0x26: {  	[spmem:s6] =	stream.linear.scatter [tilespmem:s17], [sflag:$0x4], $0x4000, $0x38;
	[tilespmem:$0x1E800] =	vst v63  }
0x27: {  	_ =	swait.ge [sflag:s18], $0x4000  }
0x28: {  	[sflag:s18] =	ssyncset.done $0x0  }
0x29: {  	[sflag:s18] =	ssyncadd.s32 $0xFFFFC000  }
0x2a: {  	[spmem:s11] =	stream.linear.scatter [tilespmem:s17], [sflag:$0x4], $0x4000, $0x38;
	[tilespmem:$0x1E800] =	vst v63  }
0x2b: {  	_ =	swait.ge [sflag:s18], $0x4000  }
0x2c: {  	[sflag:s18] =	ssyncset.done $0x0  }
0x2d: {  	[sflag:s18] =	ssyncadd.s32 $0xFFFFC000  }
0x2e: {  	[spmem:s12] =	stream.linear.scatter [tilespmem:s17], [sflag:$0x4], $0x4000, $0x38;
	[tilespmem:$0x1E800] =	vst v63  }
0x2f: {  	_ =	swait.ge [sflag:s18], $0x4000  }
0x30: {  	[sflag:s18] =	ssyncset.done $0x0  }
0x31: {  	[sflag:s18] =	ssyncadd.s32 $0xFFFFC000  }
0x32: {  	[spmem:s13] =	stream.linear.scatter [tilespmem:s17], [sflag:$0x4], $0x4000, $0x38;
	[tilespmem:$0x1E800] =	vst v63  }
0x33: {  	_ =	swait.ge [sflag:s18], $0x4000  }
0x34: {  	[sflag:s18] =	ssyncset.done $0x0  }
0x35: {  	[sflag:s18] =	ssyncadd.s32 $0xFFFFC000  }
0x36: {  	[spmem:s14] =	stream.linear.scatter [tilespmem:s17], [sflag:$0x4], $0x4000, $0x38;
	[tilespmem:$0x1E800] =	vst v63  }
0x37: {  	_ =	swait.ge [sflag:s18], $0x4000  }
0x38: {  	[sflag:s18] =	ssyncset.done $0x0  }
0x39: {  	[sflag:s18] =	ssyncadd.s32 $0xFFFFC000  }
0x3a: {  	_ =	swait.ge [sflag:s19], $0x1400  }
0x3b: {  	[sflag:s19] =	ssyncset.done $0x0  }
0x3c: {  	[sflag:s19] =	ssyncadd.s32 $0xFFFFEC00  }
0x3d: {  	_ =	swait.ge [sflag:s19], $0x1400  }
0x3e: {  	[sflag:s19] =	ssyncset.done $0x0  }
0x3f: {  	s28 =	simm.s32 $0x0;
	[sflag:s19] =	ssyncadd.s32 $0xFFFFEC00  }
0x40: {  	[tilespmem:s17], [sflag:$0x2] =	stream.indirect.gather [hbm4b:s15+s20], $0x80, s28, s20, $0xb8;
	[tilespmem:$0x1E800] =	vst v63  }
0x41: {  	_ = 	snop  }
0x42: {  	[tilespmem:s21], [sflag:$0x3] =	stream.indirect.gather [hbm4b:s15+s20], $0x80, s20, s20, $0xb8;
	[tilespmem:$0x1E800] =	vst v63  }
0x43: {  	[bflag:$0x0] =	sbarrier.arrive $0xFFFF  }
0x44: {  	_ =	swait.ge [sflag:s22], $0x4000  }
0x45: {  	[sflag:s22] =	ssyncset.done $0x0  }
0x46: {  	s28 =	simm.s32 $0x1400;
	[sflag:s22] =	ssyncadd.s32 $0xFFFFC000  }
0x47: {  	[spmem:s1] =	stream.indirect.scatter.add.f32 [tilespmem:s17], [sflag:$0x4], $0x80, s28, s20, $0xb8;
	[tilespmem:$0x1E800] =	vst v63  }
0x48: {  	_ =	swait.ge [sflag:s18], $0x4000  }
0x49: {  	[sflag:s18] =	ssyncset.done $0x0  }
0x4a: {  	s28 =	simm.s32 $0x100;
	[sflag:s18] =	ssyncadd.s32 $0xFFFFC000  }
0x4b: {  	[tilespmem:s17], [sflag:$0x2] =	stream.indirect.gather [hbm4b:s15+s20], $0x80, s28, s20, $0xb8;
	[tilespmem:$0x1E800] =	vst v63  }
0x4c: {  	_ =	swait.ge [sflag:s23], $0x4000  }
0x4d: {  	[sflag:s23] =	ssyncset.done $0x0  }
0x4e: {  	s28 =	simm.s32 $0x1480;
	[sflag:s23] =	ssyncadd.s32 $0xFFFFC000  }
0x4f: {  	[spmem:s1] =	stream.indirect.scatter.add.f32 [tilespmem:s21], [sflag:$0x4], $0x80, s28, s20, $0xb8;
	[tilespmem:$0x1E800] =	vst v63  }
0x50: {  	_ =	swait.ge [sflag:s18], $0x4000  }
0x51: {  	[sflag:s18] =	ssyncset.done $0x0  }
0x52: {  	s29 =	simm.s32 $0x180;
	s28 =	simm.s32 $0x400;
	[sflag:s18] =	ssyncadd.s32 $0xFFFFC000  }
.LBB2_4:
0x53: {  	[tilespmem:s21], [sflag:$0x3] =	stream.indirect.gather [hbm4b:s15+s20], $0x80, s29, s20, $0xb8;
	[tilespmem:$0x1E800] =	vst v63  }
0x54: {  	s29 =	smov.u32 s28  }
0x55: {  	p0 =	sne.s32 s28, $0x4800;
	s28 =	sadd.s32 $0x400, s28;
	_ =	swait.ge [sflag:s22], $0x4000  }
0x56: {  	s29 =	sshra.s32 s29, $0x2;
	[sflag:s22] =	ssyncset.done $0x0  }
0x57: {  	s30 =	sadd.s32 $0x1400, s29;
	[sflag:s22] =	ssyncadd.s32 $0xFFFFC000  }
0x58: {  	[spmem:s1] =	stream.indirect.scatter.add.f32 [tilespmem:s17], [sflag:$0x4], $0x80, s30, s20, $0xb8;
	[tilespmem:$0x1E800] =	vst v63  }
0x59: {  	_ =	swait.ge [sflag:s18], $0x4000  }
0x5a: {  	[sflag:s18] =	ssyncset.done $0x0  }
0x5b: {  	s30 =	sadd.s32 $0x100, s29;
	[sflag:s18] =	ssyncadd.s32 $0xFFFFC000  }
0x5c: {  	[tilespmem:s17], [sflag:$0x2] =	stream.indirect.gather [hbm4b:s15+s20], $0x80, s30, s20, $0xb8;
	[tilespmem:$0x1E800] =	vst v63  }
0x5d: {  	_ =	swait.ge [sflag:s23], $0x4000  }
0x5e: {  	[sflag:s23] =	ssyncset.done $0x0  }
.Ltmp1:
0x5f: {  	s30 =	sadd.s32 $0x1480, s29;
	[sflag:s23] =	ssyncadd.s32 $0xFFFFC000;
	(pc) =	sbr.rel @p0 .LBB2_4-.Ltmp1, $4  }
0x60: {  	[spmem:s1] =	stream.indirect.scatter.add.f32 [tilespmem:s21], [sflag:$0x4], $0x80, s30, s20, $0xb8;
	[tilespmem:$0x1E800] =	vst v63  }
0x61: {  	_ =	swait.ge [sflag:s18], $0x4000  }
0x62: {  	[sflag:s18] =	ssyncset.done $0x0  }
0x63: {  	s29 =	sadd.s32 $0x180, s29;
	[sflag:s18] =	ssyncadd.s32 $0xFFFFC000  }
0x64: {  	[tilespmem:s21], [sflag:$0x3] =	stream.indirect.gather [hbm4b:s15+s20], $0x80, s29, s20, $0xb8;
	[tilespmem:$0x1E800] =	vst v63  }
0x65: {  	_ =	swait.ge [sflag:s22], $0x4000  }
0x66: {  	[sflag:s22] =	ssyncset.done $0x0  }
0x67: {  	[sflag:s22] =	ssyncadd.s32 $0xFFFFC000  }
0x68: {  	[spmem:s1] =	stream.indirect.scatter.add.f32 [tilespmem:s17], [sflag:$0x4], $0x80, s24, s20, $0xb8;
	[tilespmem:$0x1E800] =	vst v63  }
0x69: {  	_ =	swait.ge [sflag:s18], $0x4000  }
0x6a: {  	[sflag:s18] =	ssyncset.done $0x0  }
0x6b: {  	[sflag:s18] =	ssyncadd.s32 $0xFFFFC000  }
0x6c: {  	_ =	swait.ge [sflag:s23], $0x4000  }
0x6d: {  	[sflag:s23] =	ssyncset.done $0x0  }
0x6e: {  	[sflag:s23] =	ssyncadd.s32 $0xFFFFC000  }
0x6f: {  	[spmem:s1] =	stream.indirect.scatter.add.f32 [tilespmem:s21], [sflag:$0x4], $0x80, s25, s20, $0xb8;
	[tilespmem:$0x1E800] =	vst v63  }
0x70: {  	_ =	swait.ge [sflag:s18], $0x4000  }
0x71: {  	[sflag:s18] =	ssyncset.done $0x0  }
0x72: {  	s28 =	simm.s32 $0x0;
	[sflag:s18] =	ssyncadd.s32 $0xFFFFC000  }
0x73: {  	[tilespmem:s28], [sflag:$0x4] =	stream.linear.gather [hbm4b:s7+s28], $0x1400, $0x38;
	[tilespmem:$0x1E800] =	vst v63  }
0x74: {  	_ =	swait.ge [sflag:s18], $0x1400  }
0x75: {  	[sflag:s18] =	ssyncset.done $0x0  }
0x76: {  	[sflag:s18] =	ssyncadd.s32 $0xFFFFEC00  }
0x77: {  	[tilespmem:s16], [sflag:$0x4] =	stream.linear.gather [hbm4b:s8+s28], $0x1400, $0x38;
	[tilespmem:$0x1E800] =	vst v63  }
0x78: {  	_ =	swait.ge [sflag:s18], $0x1400  }
0x79: {  	[sflag:s18] =	ssyncset.done $0x0  }
0x7a: {  	[sflag:s18] =	ssyncadd.s32 $0xFFFFEC00  }
0x7b: {  	[tilespmem:s17], [sflag:$0x2] =	stream.indirect.gather [hbm4b:s15+s20], $0x80, s28, s20, $0xb8;
	[tilespmem:$0x1E800] =	vst v63  }
0x7c: {  	_ = 	snop  }
0x7d: {  	[tilespmem:s21], [sflag:$0x3] =	stream.indirect.gather [hbm4b:s15+s20], $0x80, s20, s20, $0xb8;
	[tilespmem:$0x1E800] =	vst v63  }
0x7e: {  	_ =	swait.ge [sflag:s22], $0x4000  }
0x7f: {  	[sflag:s22] =	ssyncset.done $0x0  }
0x80: {  	s28 =	simm.s32 $0x1400;
	[sflag:s22] =	ssyncadd.s32 $0xFFFFC000  }
0x81: {  	[spmem:s1] =	stream.indirect.scatter.add.f32 [tilespmem:s17], [sflag:$0x4], $0x80, s28, s20, $0xb8;
	[tilespmem:$0x1E800] =	vst v63  }
0x82: {  	_ =	swait.ge [sflag:s18], $0x4000  }
0x83: {  	[sflag:s18] =	ssyncset.done $0x0  }
0x84: {  	s28 =	simm.s32 $0x100;
	[sflag:s18] =	ssyncadd.s32 $0xFFFFC000  }
0x85: {  	[tilespmem:s17], [sflag:$0x2] =	stream.indirect.gather [hbm4b:s15+s20], $0x80, s28, s20, $0xb8;
	[tilespmem:$0x1E800] =	vst v63  }
0x86: {  	_ =	swait.ge [sflag:s23], $0x4000  }
0x87: {  	[sflag:s23] =	ssyncset.done $0x0  }
0x88: {  	s28 =	simm.s32 $0x1480;
	[sflag:s23] =	ssyncadd.s32 $0xFFFFC000  }
0x89: {  	[spmem:s1] =	stream.indirect.scatter.add.f32 [tilespmem:s21], [sflag:$0x4], $0x80, s28, s20, $0xb8;
	[tilespmem:$0x1E800] =	vst v63  }
0x8a: {  	_ =	swait.ge [sflag:s18], $0x4000  }
0x8b: {  	[sflag:s18] =	ssyncset.done $0x0  }
0x8c: {  	s29 =	simm.s32 $0x180;
	s28 =	simm.s32 $0x400;
	[sflag:s18] =	ssyncadd.s32 $0xFFFFC000  }
.LBB2_6:
0x8d: {  	[tilespmem:s21], [sflag:$0x3] =	stream.indirect.gather [hbm4b:s15+s20], $0x80, s29, s20, $0xb8;
	[tilespmem:$0x1E800] =	vst v63  }
0x8e: {  	s29 =	smov.u32 s28  }
0x8f: {  	p0 =	sne.s32 s28, $0x4800;
	s28 =	sadd.s32 $0x400, s28;
	_ =	swait.ge [sflag:s22], $0x4000  }
0x90: {  	s29 =	sshra.s32 s29, $0x2;
	[sflag:s22] =	ssyncset.done $0x0  }
0x91: {  	s30 =	sadd.s32 $0x1400, s29;
	[sflag:s22] =	ssyncadd.s32 $0xFFFFC000  }
0x92: {  	[spmem:s1] =	stream.indirect.scatter.add.f32 [tilespmem:s17], [sflag:$0x4], $0x80, s30, s20, $0xb8;
	[tilespmem:$0x1E800] =	vst v63  }
0x93: {  	_ =	swait.ge [sflag:s18], $0x4000  }
0x94: {  	[sflag:s18] =	ssyncset.done $0x0  }
0x95: {  	s30 =	sadd.s32 $0x100, s29;
	[sflag:s18] =	ssyncadd.s32 $0xFFFFC000  }
0x96: {  	[tilespmem:s17], [sflag:$0x2] =	stream.indirect.gather [hbm4b:s15+s20], $0x80, s30, s20, $0xb8;
	[tilespmem:$0x1E800] =	vst v63  }
0x97: {  	_ =	swait.ge [sflag:s23], $0x4000  }
0x98: {  	[sflag:s23] =	ssyncset.done $0x0  }
.Ltmp2:
0x99: {  	s30 =	sadd.s32 $0x1480, s29;
	[sflag:s23] =	ssyncadd.s32 $0xFFFFC000;
	(pc) =	sbr.rel @p0 .LBB2_6-.Ltmp2, $4  }
0x9a: {  	[spmem:s1] =	stream.indirect.scatter.add.f32 [tilespmem:s21], [sflag:$0x4], $0x80, s30, s20, $0xb8;
	[tilespmem:$0x1E800] =	vst v63  }
0x9b: {  	_ =	swait.ge [sflag:s18], $0x4000  }
0x9c: {  	[sflag:s18] =	ssyncset.done $0x0  }
0x9d: {  	s29 =	sadd.s32 $0x180, s29;
	[sflag:s18] =	ssyncadd.s32 $0xFFFFC000  }
0x9e: {  	[tilespmem:s21], [sflag:$0x3] =	stream.indirect.gather [hbm4b:s15+s20], $0x80, s29, s20, $0xb8;
	[tilespmem:$0x1E800] =	vst v63  }
0x9f: {  	_ =	swait.ge [sflag:s22], $0x4000  }
0xa0: {  	[sflag:s22] =	ssyncset.done $0x0  }
0xa1: {  	[sflag:s22] =	ssyncadd.s32 $0xFFFFC000  }
0xa2: {  	[spmem:s1] =	stream.indirect.scatter.add.f32 [tilespmem:s17], [sflag:$0x4], $0x80, s24, s20, $0xb8;
	[tilespmem:$0x1E800] =	vst v63  }
0xa3: {  	_ =	swait.ge [sflag:s18], $0x4000  }
0xa4: {  	[sflag:s18] =	ssyncset.done $0x0  }
0xa5: {  	[sflag:s18] =	ssyncadd.s32 $0xFFFFC000  }
0xa6: {  	_ =	swait.ge [sflag:s23], $0x4000  }
0xa7: {  	[sflag:s23] =	ssyncset.done $0x0  }
0xa8: {  	[sflag:s23] =	ssyncadd.s32 $0xFFFFC000  }
0xa9: {  	[spmem:s1] =	stream.indirect.scatter.add.f32 [tilespmem:s21], [sflag:$0x4], $0x80, s25, s20, $0xb8;
	[tilespmem:$0x1E800] =	vst v63  }
0xaa: {  	_ =	swait.ge [sflag:s18], $0x4000  }
0xab: {  	s28 =	sshll.u32 s2, $0x6;
	s26 =	sadd.s32 $0x1, s26;
	[sflag:s18] =	ssyncset.done $0x0  }
0xac: {  	s31 =	sshrl.u32 s6, $0x3;
	p0 =	sne.s32 s26, s10;
	[sflag:s18] =	ssyncadd.s32 $0xFFFFC000  }
.Ltmp3:
0xad: {  	s28 =	sor.u32 $0x1C04, s28;
	[bflag:$0x0] =	sbarrier.arrive $0xFFFF;
	(pc) =	sbr.rel @p0 .LBB2_1-.Ltmp3, $4  }
0xae: {  	[hbm:s9], [sflag:s28] =	dma.local [spmem:s31], $0x2800  }
0xaf: {  	_ =	swait.ge [sflag:s18], $0x2800  }
0xb0: {  	[sflag:s18] =	ssyncset.done $0x0  }
0xb1: {  	[sflag:s18] =	ssyncadd.s32 $0xFFFFD800  }
0xb2: {  	_ =	sfence.sel $0x180000  }
0xb3: {  	[bflag:$0x0] =	sbarrier.arrive $0xFFFF  }
0xb4: {  	p0 =	sne.s32 s2, $0x0;
	_ =	strace $0x9000004A  }
0xb5: {  	s0 =	sadd.s32 @!p0 $0x100000, s0;
	[bflag:$0x2] =	sbarrier.arrive $0xFFFF  }
0xb6: {  	[sflag:s0] =	ssyncadd.tile.s32 @!p0 $0x1;
	_ =	shalt  }
.Lfunc_end2:
_tile_overlayer_lowered:
.L_overlay_start_2:
0xb7: {  	(tag) =	ssettag $0x2  }
0xb8: {  	s0 =	rddreg [dreg:$0x0];
	s2 =	stileid.u32  }
0xb9: {  	s1 =	rddreg [dreg:$0x1];
	p0 =	sne.s32 s2, $0x0  }
0xba: {  	s3 =	rddreg [dreg:$0x2];
	[bflag:$0x3] =	sbarrier.arrive $0xFFFF;
	s2 =	simm.s32 @!p0 $0x1C04  }
0xbb: {  	[timem:s3], [sflag:s2] =	dma.local @!p0 [hbm:s0], s1  }
0xbc: {  	s0 =	simm.s32 @!p0 $0x4  }
0xbd: {  	_ =	swait.ge @!p0 [sflag:s0], s1  }
0xbe: {  	s1 =	ssub.s32 @!p0 $0x0, s1;
	[sflag:s0] =	ssyncset.done @!p0 $0x0  }
0xbf: {  	[sflag:s0] =	ssyncadd.s32 @!p0 s1  }
0xc0: {  	[bflag:$0x3] =	sbarrier.arrive $0xFFFF  }
0xc1: {  	_ =	shalt  }

// kernel: kernel.13.cloned.1.call-start
scs
__scs_entry_jumppad:
0x0: {  	(pc) =	sbr.rel $0x88, $3  }
0x1: {  	(tag) =	ssettag $0x0;
	lr =	simm.s32 $0x1  }
0x2: {  	[smem:$0x3F96] =	sst lr;
	_ =	strace $0xD0000000  }
0x3: {  	_ = 	snop  }
0x4: {  	_ = 	snop  }
0x5: {  	_ = 	snop  }
0x6: {  	_ = 	snop  }
0x7: {  	_ = 	snop  }
__scs_overlays_trampoline_lowered:
0x8: {  	[smem:$0x3FA5] =	sst s0  }
0x9: {  	[smem:$0x3FA6] =	sst s1  }
0xa: {  	[smem:$0x3FA7] =	sst s2  }
0xb: {  	[smem:$0x3FA8] =	sst s3  }
0xc: {  	[smem:$0x3FA9] =	sst s4  }
0xd: {  	[smem:$0x3FAA] =	sst s5  }
0xe: {  	[smem:$0x3FAB] =	sst s6  }
0xf: {  	[smem:$0x3FAC] =	sst s7  }
0x10: {  	[smem:$0x3FAD] =	sst s8  }
0x11: {  	[smem:$0x3FAE] =	sst s9;
	s0 =	simm.s32 @!p0 $0x0  }
0x12: {  	s1 =	sld [smem:$0x3F94];
	s0 =	simm.s32 @p0 $0x1  }
0x13: {  	[smem:$0x3FAF] =	sst s0;
	s0 =	simm.s32 @!p1 $0x0  }
0x14: {  	s2 =	sld [smem:$0x3F93];
	s0 =	simm.s32 @p1 $0x1  }
0x15: {  	[smem:$0x3FB0] =	sst s0;
	s0 =	simm.s32 @!p2 $0x0  }
0x16: {  	s3 =	sld [smem:$0x3FDB];
	s0 =	simm.s32 @p2 $0x1  }
0x17: {  	s4 =	simm.s32 $0x1BF5;
	[smem:$0x3FB2] =	sst s0  }
0x18: {  	s0 =	sld [smem:$0x3F95];
	_ =	swait.ge [sflag:s4], $0x0  }
0x19: {  	s7 =	sld [smem:$0x3F96]  }
0x1a: {  	s8 =	sadd.s32 $0xFFFFE003, lr  }
0x1b: {  	s9 =	sadd.s32 $0xFFFFFEF7, lr;
	s5 =	simm.s32 $0xFFFFFFFF;
	p2 =	slt.u32 s8, $0xFFFFF086  }
0x1c: {  	p1 =	slt.u32 s9, $0xF7A;
	s5 =	simm.s32 @!p2 $0x0  }
0x1d: {  	s5 =	simm.s32 @p1 $0x1;
	p0 =	seq.s32 s7, s2  }
0x1e: {  	s7 =	smul.u32 @!p0 $0xF7A, s2;
	p2 =	seq.s32 @!p0 s5, $0x0  }
0x1f: {  	s9 =	smul.u32 $0xF7A, s1;
	s8 =	simm.s32 @!p0 $0x1BF5;
	p2 =	por !p2, p0  }
0x20: {  	[sflag:s8] =	ssyncset.s32 @!p0 $0xFFFFF086;
	s6 =	sadd.s32 @!p0 s3, s7;
	s7 =	simm.s32 @!p0 $0x108  }
0x21: {  	s3 =	sadd.s32 s3, s9;
	s6 =	sadd.s32 @!p0 $0x88, s6;
	s7 =	simm.s32 @p2 $0x1082  }
0x22: {  	[simem:s7], [sflag:s8] =	dma.local @!p0 [hbm:s6], $0xF7A  }
0x23: {  	s9 =	sor.u32 $0xD0000000, s2;
	s6 =	simm.s32 $0x108;
	_ =	swait.ge @!p0 [sflag:s8], $0x0  }
0x24: {  	s3 =	sadd.s32 $0x88, s3;
	s6 =	simm.s32 @!p1 $0x1082;
	[sflag:s4] =	ssyncset.s32 $0xFFFFF086  }
0x25: {  	[simem:s6], [sflag:s4] =	dma.local [hbm:s3], $0xF7A  }
0x26: {  	[smem:$0x3F96] =	sst s1;
	(tag) =	ssettag s2;
	_ =	strace s9  }
0x27: {  	s1 =	sld [smem:$0x3FA6]  }
0x28: {  	s2 =	sld [smem:$0x3FA7]  }
0x29: {  	s4 =	sld [smem:$0x3FA9]  }
0x2a: {  	p0 =	seq.s32 s5, $0x0;
	s5 =	sld [smem:$0x3FAA]  }
0x2b: {  	s6 =	sld [smem:$0x3FAB]  }
0x2c: {  	s7 =	sld [smem:$0x3FAC]  }
0x2d: {  	s3 =	simm.s32 $0x108;
	s8 =	sld [smem:$0x3FAD]  }
0x2e: {  	s3 =	simm.s32 @!p0 $0x1082;
	s9 =	sld [smem:$0x3FAE]  }
0x2f: {  	lr =	sadd.s32 s0, s3;
	s0 =	sld [smem:$0x3FA5]  }
0x30: {  	s3 =	sld [smem:$0x3FA8]  }
0x31: {  	[smem:$0x3FB1] =	sst s10  }
0x32: {  	s10 =	sld [smem:$0x3FAF];
	_ =	sdelay $0x3  }
0x33: {  	p0 =	seq.s32 s10, $0x1;
	s10 =	sld [smem:$0x3FB1];
	_ =	sdelay $0x3  }
0x34: {  	[smem:$0x3FB1] =	sst s10  }
0x35: {  	s10 =	sld [smem:$0x3FB0];
	_ =	sdelay $0x3  }
0x36: {  	p1 =	seq.s32 s10, $0x1;
	s10 =	sld [smem:$0x3FB1];
	_ =	sdelay $0x3  }
0x37: {  	[smem:$0x3FB1] =	sst s10  }
0x38: {  	s10 =	sld [smem:$0x3FB2]  }
0x39: {  	_ = 	snop;
	(pc) =	sbr.ind lr, $3  }
0x3a: {  	_ = 	snop  }
0x3b: {  	_ = 	snop  }
0x3c: {  	p2 =	seq.s32 s10, $0x1;
	s10 =	sld [smem:$0x3FB1]  }
0x3d: {  	_ =	shalt  }
0x3e: {  	_ =	shalt  }
0x3f: {  	_ =	shalt  }
0x40: {  	_ =	shalt  }
0x41: {  	_ =	shalt  }
0x42: {  	_ =	shalt  }
0x43: {  	_ =	shalt  }
0x44: {  	_ =	shalt  }
0x45: {  	_ =	shalt  }
0x46: {  	_ =	shalt  }
0x47: {  	_ =	shalt  }
0x48: {  	_ =	shalt  }
0x49: {  	_ =	shalt  }
0x4a: {  	_ =	shalt  }
0x4b: {  	_ =	shalt  }
0x4c: {  	_ =	shalt  }
0x4d: {  	_ =	shalt  }
0x4e: {  	_ =	shalt  }
0x4f: {  	_ =	shalt  }
0x50: {  	_ =	shalt  }
0x51: {  	_ =	shalt  }
0x52: {  	_ =	shalt  }
0x53: {  	_ =	shalt  }
0x54: {  	_ =	shalt  }
0x55: {  	_ =	shalt  }
0x56: {  	_ =	shalt  }
0x57: {  	_ =	shalt  }
0x58: {  	_ =	shalt  }
0x59: {  	_ =	shalt  }
0x5a: {  	_ =	shalt  }
0x5b: {  	_ =	shalt  }
0x5c: {  	_ =	shalt  }
0x5d: {  	_ =	shalt  }
0x5e: {  	_ =	shalt  }
0x5f: {  	_ =	shalt  }
0x60: {  	_ =	shalt  }
0x61: {  	_ =	shalt  }
0x62: {  	_ =	shalt  }
0x63: {  	_ =	shalt  }
0x64: {  	_ =	shalt  }
0x65: {  	_ =	shalt  }
0x66: {  	_ =	shalt  }
0x67: {  	_ =	shalt  }
0x68: {  	_ =	shalt  }
0x69: {  	_ =	shalt  }
0x6a: {  	_ =	shalt  }
0x6b: {  	_ =	shalt  }
0x6c: {  	_ =	shalt  }
0x6d: {  	_ =	shalt  }
0x6e: {  	_ =	shalt  }
0x6f: {  	_ =	shalt  }
0x70: {  	_ =	shalt  }
0x71: {  	_ =	shalt  }
0x72: {  	_ =	shalt  }
0x73: {  	_ =	shalt  }
0x74: {  	_ =	shalt  }
0x75: {  	_ =	shalt  }
0x76: {  	_ =	shalt  }
0x77: {  	_ =	shalt  }
0x78: {  	_ =	shalt  }
0x79: {  	_ =	shalt  }
0x7a: {  	_ =	shalt  }
0x7b: {  	_ =	shalt  }
0x7c: {  	_ =	shalt  }
0x7d: {  	_ =	shalt  }
0x7e: {  	_ =	shalt  }
0x7f: {  	_ =	shalt  }
0x80: {  	_ =	shalt  }
0x81: {  	_ =	shalt  }
0x82: {  	_ =	shalt  }
0x83: {  	_ =	shalt  }
0x84: {  	_ =	shalt  }
0x85: {  	_ =	shalt  }
0x86: {  	_ =	shalt  }
0x87: {  	_ =	shalt  }
.Lfunc_end0:
.L_simem_size_0:
called_computation.2_lowered:
.L_overlay_start_0:
0x88: {  	s2 =	sld [smem:$0x3FD9]  }
0x89: {  	s3 =	sld [smem:$0x3FFE];
	_ =	sdelay $0x1  }
0x8a: {  	s1 =	srdreg.scid  }
0x8b: {  	s0 =	sand.u32 $0x1, s1  }
0x8c: {  	s17 =	sshll.u32 s0, $0xA;
	s2 =	sadd.s32 s3, s2  }
0x8d: {  	s2 =	sadd.s32 s2, s17  }
0x8e: {  	[smem:$0x3FBD] =	sst s2  }
0x8f: {  	_ = 	snop  }
0x90: {  	s2 =	sld [smem:$0x3FD0];
	(tm) =	ssettm $0x1  }
0x91: {  	s18 =	sld [smem:$0x3FFB];
	_ =	sdelay $0x3  }
0x92: {  	_ =	strace s18  }
0x93: {  	s3 =	sld [smem:$0x3FFC];
	_ =	sdelay $0x3  }
0x94: {  	_ =	strace s3  }
0x95: {  	s3 =	sld [smem:$0x3FFD];
	_ =	sdelay $0x3  }
0x96: {  	_ =	strace s3  }
0x97: {  	_ =	strace $0x8FFFFFFF  }
0x98: {  	s19 =	sld [smem:$0x3FDB];
	_ =	sdelay $0x1  }
0x99: {  	s4 =	simm.s32 $_scs_section_size  }
0x9a: {  	s5 =	simm.s32 $_size__tile_overlayer_lowered;
	s6 =	simm.s32 $_tile_overlayer_lowered  }
0x9b: {  	s22 =	simm.s32 $0x1BFF;
	s21 =	sshll.u32 s6, $0x1;
	s3 =	sadd.s32 s4, s19  }
0x9c: {  	s7 =	simm.s32 $0x0;
	s20 =	sshll.u32 s5, $0x1;
	s5 =	sadd.s32 s21, s3  }
0x9d: {  	[timem:s7], [sflag:s22] =	dma.local [hbm:s5], s20  }
0x9e: {  	_ =	swait.ge [sflag:s22], s20  }
0x9f: {  	s4 =	ssub.s32 $0x0, s20;
	[sflag:s22] =	ssyncset.done $0x0  }
0xa0: {  	[sflag:s22] =	ssyncadd.s32 s4;
	_ =	sdelay $0x1  }
0xa1: {  	s23 =	simm.s32 $0x1B8B  }
0xa2: {  	_ =	swait.ge [sflag:s23], $0x1  }
0xa3: {  	[sflag:s23] =	ssyncset.done $0x0  }
0xa4: {  	s25 =	simm.s32 $0x1B8E;
	s24 =	sld [smem:$0x3FFE];
	[sflag:s23] =	ssyncadd.s32 $0xFFFFFFFF  }
0xa5: {  	s26 =	simm.s32 $execute0_lowered;
	[smem:$0x3FD2] =	sst s25  }
0xa6: {  	s5 =	sshll.u32 s26, $0x1;
	_ =	strace $0x8000004C;
	[dreg:$0x1] =	wrdreg $0xFFFFFFFF  }
0xa7: {  	s28 =	simm.s32 $_size_execute0_lowered;
	s3 =	sadd.s32 s3, s5;
	[dreg:$0x0] =	wrdreg $0x0  }
0xa8: {  	s5 =	sshll.u32 s28, $0x1;
	[dreg:$0x2] =	wrdreg s3  }
0xa9: {  	[dreg:$0x3] =	wrdreg s5  }
0xaa: {  	[dreg:$0x4] =	wrdreg $0xC0  }
0xab: {  	_ =	task [dreg:s7], $0x5FFFF  }
0xac: {  	[dreg:$0x1] =	wrdreg $0xFFFFFFFF  }
0xad: {  	[dreg:$0x0] =	wrdreg $0x60  }
0xae: {  	[dreg:$0x2] =	wrdreg s24  }
0xaf: {  	[dreg:$0x3] =	wrdreg s2  }
0xb0: {  	[dreg:$0x4] =	wrdreg $0x9  }
0xb1: {  	_ =	task.clear_ibuf [dreg:s7], $0x5FFFF;
	_ =	strace $0x9000004C  }
0xb2: {  	s29 =	simm.s32 $0x9;
	_ =	strace $0x8000004E  }
0xb3: {  	_ =	swait.ge [sflag:s29], $0x1  }
0xb4: {  	[sflag:s29] =	ssyncadd.s32 $0xFFFFFFFF  }
0xb5: {  	_ =	strace $0x9000004E  }
0xb6: {  	_ =	sfence  }
0xb7: {  	s30 =	sld [smem:$0x0];
	_ =	sdelay $0x2  }
0xb8: {  	s31 =	sshll.u32 s1, $0xD;
	s1 =	sshrl.u32 s1, $0x2  }
0xb9: {  	s3 =	sand.u32 $0x4000, s31;
	s1 =	sadd.s32 s1, s30  }
0xba: {  	s0 =	sor.u32 s3, s0;
	s1 =	sshll.u32 s1, $0x11  }
0xbb: {  	s0 =	sor.u32 s1, s0  }
0xbc: {  	s0 =	sadd.s32 $0x8F2B, s0  }
0xbd: {  	[sflag:s0] =	ssyncadd.remote.s32 $0x1  }
0xbe: {  	_ =	sfence.sel $0xFFFF  }
0xbf: {  	[dreg:$0x0] =	wrdreg $0xFFFFFFFF;
	(pc) =	sbr.abs _section_cstart, $3  }
0xc0: {  	[dreg:$0x1] =	wrdreg $0xFFFFFFFF  }
0xc1: {  	_ =	task.clear_ibuf [dreg:s7], $0x2FFFF;
	_ =	strace $0x9FFFFFFF  }
0xc2: {  	(tm) =	ssettm $0x7FFFFFFF  }
0xc3: {  	_ =	shalt  }
tec
execute0_lowered:
.L_overlay_start_1:
0x0: {  	(tag) =	ssettag $0x1  }
0x1: {  	s4 =	rddreg [dreg:$0x0]  }
0x2: {  	s6 =	rddreg [dreg:$0x1]  }
0x3: {  	s0 =	rddreg [dreg:$0x2];
	s2 =	simm.s32 $0x0;
	s3 =	srdreg.scid  }
0x4: {  	s1 =	stileid.u32;
	s10 =	simm.s32 $0x5080;
	s11 =	simm.s32 $0x5280  }
0x5: {  	s12 =	simm.s32 $0x0;
	[smem:$0x7FF] =	sst s2;
	s3 =	sand.u32 $0x1, s3  }
0x6: {  	s5 =	sshll.u32 s1, $0x7;
	s7 =	sshll.u32 s3, $0x6;
	s8 =	ssub.s32 $0x2, s3  }
0x7: {  	_ =	strace $0x8000004D;
	s7 =	sor.u32 s7, s5;
	s31 =	sshrl.u32 s8, $0x1  }
0x8: {  	s3 =	sadd.s32 $0x2E00, s4;
	s9 =	sadd.s32 s7, s4;
	s8 =	ssub.s32 s8, s31  }
0x9: {  	s6 =	sadd.s32 s6, s7;
	s4 =	sadd.s32 $0xABA00, s9;
	s5 =	sadd.s32 $0xAB200, s9  }
0xa: {  	s7 =	smax.u32 s8, $0x1;
	s8 =	simm.s32 $0x1;
	s9 =	simm.s32 $0x4E80  }
.LBB2_1:
0xb: {  	[tilespmem:s2], [sflag:$0x1] =	stream.linear.gather [hbm4b:s3+s2], $0x4E80, $0x38;
	[tilespmem:$0x5480] =	vst v63  }
0xc: {  	_ =	swait.ge [sflag:s8], $0x4E80  }
0xd: {  	[sflag:s8] =	ssyncset.done $0x0  }
0xe: {  	[sflag:s8] =	ssyncadd.s32 $0xFFFFB180  }
0xf: {  	[tilespmem:s9], [sflag:$0x1] =	stream.linear.gather [hbm4b:s4+s2], $0x200, $0x38;
	[tilespmem:$0x5480] =	vst v63  }
0x10: {  	_ =	swait.ge [sflag:s8], $0x200  }
0x11: {  	[sflag:s8] =	ssyncset.done $0x0  }
0x12: {  	[sflag:s8] =	ssyncadd.s32 $0xFFFFFE00  }
0x13: {  	[tilespmem:s10], [sflag:$0x1] =	stream.linear.gather [hbm4b:s5+s2], $0x200, $0x38;
	[tilespmem:$0x5480] =	vst v63  }
0x14: {  	_ =	swait.ge [sflag:s8], $0x200  }
0x15: {  	[sflag:s8] =	ssyncset.done $0x0  }
0x16: {  	s13 =	simm.s32 $0x0;
	[sflag:s8] =	ssyncadd.s32 $0xFFFFFE00  }
0x17: {  	v0 =	vld [tilespmem:s13+$0x5080]  }
0x18: {  	v1 =	vld [tilespmem:s13+$0x4E80];
	_ =	sdelay $0x4  }
0x19: {  	v0 =	vshll.u32 v0, $0x1;
	v1 =	vshll.u32 v1, $0x1  }
0x1a: {  	v0 =	vor.u32 $0x1, v0;
	_ =	sdelay $0x3  }
0x1b: {  	v1 =	vld.idx.msk [tilespmem:v1+s2+$0x0], $0xffff  }
0x1c: {  	v0 =	vld.idx.msk [tilespmem:v0+s2+$0x0], $0xffff;
	_ =	sdelay $0x4  }
0x1d: {  	v0 =	vadd.f32 v0, v1;
	_ =	sdelay $0x1  }
0x1e: {  	v0 =	vsub.f32 $0.0e+00, v0;
	_ =	sdelay $0x1  }
0x1f: {  	v0 =	vmul.f32 $1.442695020e+00, v0;
	_ =	sdelay $0x1  }
0x20: {  	(erf) = vpow2.f32 v0;
	_ =	sdelay $0x8  }
0x21: {  	v0 =	vpop (erf)  }
0x22: {  	v1 =	vadd.f32 $1.000000000e+00, v0  }
0x23: {  	s15 =	simm.s32 $0x10  }
0x24: {  	s14 =	simm.s32 $0x80;
	v0 =	vld [tilespmem:s15+$0x5080];
	(erf) = vrcp.f32 v1  }
.LBB2_2:
0x25: {  	p0 =	sne.s32 s14, $0x7C0  }
0x26: {  	v1 =	vld [tilespmem:s15+$0x4E80];
	_ =	sdelay $0x2  }
0x27: {  	v0 =	vshll.u32 v0, $0x1  }
0x28: {  	v0 =	vor.u32 $0x1, v0  }
0x29: {  	v1 =	vshll.u32 v1, $0x1;
	_ =	sdelay $0x1  }
0x2a: {  	v2 =	vpop (erf)  }
0x2b: {  	[tilespmem:s13+$0x5280] =	vst v2;
	s13 =	smov.u32 s15  }
0x2c: {  	v0 =	vld.idx.msk [tilespmem:v0+s2+$0x0], $0xffff  }
0x2d: {  	v1 =	vld.idx.msk [tilespmem:v1+s2+$0x0], $0xffff;
	_ =	sdelay $0x5  }
0x2e: {  	v0 =	vadd.f32 v0, v1;
	_ =	sdelay $0x1  }
0x2f: {  	v0 =	vsub.f32 $0.0e+00, v0;
	_ =	sdelay $0x1  }
0x30: {  	v0 =	vmul.f32 $1.442695020e+00, v0;
	_ =	sdelay $0x1  }
0x31: {  	(erf) = vpow2.f32 v0;
	_ =	sdelay $0x7  }
.Ltmp0:
0x32: {  	(pc) =	sbr.rel @p0 .LBB2_2-.Ltmp0, $4  }
0x33: {  	v0 =	vpop (erf)  }
0x34: {  	v1 =	vadd.f32 $1.000000000e+00, v0  }
0x35: {  	s15 =	sshra.s32 s14, $0x2  }
0x36: {  	s14 =	sadd.s32 $0x40, s14;
	v0 =	vld [tilespmem:s15+$0x5080];
	(erf) = vrcp.f32 v1  }
0x37: {  	_ = 	snop  }
0x38: {  	v1 =	vld [tilespmem:s15+$0x4E80];
	_ =	sdelay $0x2  }
0x39: {  	v0 =	vshll.u32 v0, $0x1  }
0x3a: {  	v0 =	vor.u32 $0x1, v0  }
0x3b: {  	v1 =	vshll.u32 v1, $0x1;
	_ =	sdelay $0x1  }
0x3c: {  	v2 =	vpop (erf)  }
0x3d: {  	[tilespmem:s13+$0x5280] =	vst v2  }
0x3e: {  	v0 =	vld.idx.msk [tilespmem:v0+s2+$0x0], $0xffff  }
0x3f: {  	v1 =	vld.idx.msk [tilespmem:v1+s2+$0x0], $0xffff;
	_ =	sdelay $0x4  }
0x40: {  	v0 =	vadd.f32 v0, v1;
	_ =	sdelay $0x1  }
0x41: {  	v0 =	vsub.f32 $0.0e+00, v0;
	_ =	sdelay $0x1  }
0x42: {  	v0 =	vmul.f32 $1.442695020e+00, v0;
	_ =	sdelay $0x1  }
0x43: {  	(erf) = vpow2.f32 v0;
	_ =	sdelay $0x8  }
0x44: {  	v0 =	vpop (erf)  }
0x45: {  	v0 =	vadd.f32 $1.000000000e+00, v0;
	_ =	sdelay $0x1  }
0x46: {  	(erf) = vrcp.f32 v0;
	_ =	sdelay $0x7  }
0x47: {  	s12 =	sadd.s32 $0x1, s12  }
0x48: {  	p0 =	sne.s32 s12, s7;
	v0 =	vpop (erf)  }
.Ltmp1:
0x49: {  	[tilespmem:s15+$0x5280] =	vst v0;
	(pc) =	sbr.rel @p0 .LBB2_1-.Ltmp1, $4  }
0x4a: {  	[hbm4b:s6+s2] =	stream.linear.scatter [tilespmem:s11], [sflag:$0x1], $0x200, $0x38;
	[tilespmem:$0x5480] =	vst v63  }
0x4b: {  	_ =	swait.ge [sflag:s8], $0x200  }
0x4c: {  	[sflag:s8] =	ssyncset.done $0x0  }
0x4d: {  	[sflag:s8] =	ssyncadd.s32 $0xFFFFFE00  }
0x4e: {  	_ =	sfence.sel $0x180000  }
0x4f: {  	[bflag:$0x0] =	sbarrier.arrive $0xFFFF  }
0x50: {  	p0 =	sne.s32 s1, $0x0;
	_ =	strace $0x9000004D  }
0x51: {  	s0 =	sadd.s32 @!p0 $0x100000, s0;
	[bflag:$0x2] =	sbarrier.arrive $0xFFFF  }
0x52: {  	[sflag:s0] =	ssyncadd.tile.s32 @!p0 $0x1;
	_ =	shalt  }
.Lfunc_end2:
_tile_overlayer_lowered:
.L_overlay_start_2:
0x53: {  	(tag) =	ssettag $0x2  }
0x54: {  	s0 =	rddreg [dreg:$0x0];
	s2 =	stileid.u32  }
0x55: {  	s1 =	rddreg [dreg:$0x1];
	p0 =	sne.s32 s2, $0x0  }
0x56: {  	s3 =	rddreg [dreg:$0x2];
	[bflag:$0x3] =	sbarrier.arrive $0xFFFF;
	s2 =	simm.s32 @!p0 $0x1C01  }
0x57: {  	[timem:s3], [sflag:s2] =	dma.local @!p0 [hbm:s0], s1  }
0x58: {  	s0 =	simm.s32 @!p0 $0x1  }
0x59: {  	_ =	swait.ge @!p0 [sflag:s0], s1  }
0x5a: {  	s1 =	ssub.s32 @!p0 $0x0, s1;
	[sflag:s0] =	ssyncset.done @!p0 $0x0  }
0x5b: {  	[sflag:s0] =	ssyncadd.s32 @!p0 s1  }
0x5c: {  	[bflag:$0x3] =	sbarrier.arrive $0xFFFF  }
0x5d: {  	_ =	shalt  }

// kernel: kernel.7.cloned.1.call-start
scs
__scs_entry_jumppad:
0x0: {  	(pc) =	sbr.rel $0x88, $3  }
0x1: {  	(tag) =	ssettag $0x0;
	lr =	simm.s32 $0x1  }
0x2: {  	[smem:$0x3F96] =	sst lr;
	_ =	strace $0xD0000000  }
0x3: {  	_ = 	snop  }
0x4: {  	_ = 	snop  }
0x5: {  	_ = 	snop  }
0x6: {  	_ = 	snop  }
0x7: {  	_ = 	snop  }
__scs_overlays_trampoline_lowered:
0x8: {  	[smem:$0x3FA5] =	sst s0  }
0x9: {  	[smem:$0x3FA6] =	sst s1  }
0xa: {  	[smem:$0x3FA7] =	sst s2  }
0xb: {  	[smem:$0x3FA8] =	sst s3  }
0xc: {  	[smem:$0x3FA9] =	sst s4  }
0xd: {  	[smem:$0x3FAA] =	sst s5  }
0xe: {  	[smem:$0x3FAB] =	sst s6  }
0xf: {  	[smem:$0x3FAC] =	sst s7  }
0x10: {  	[smem:$0x3FAD] =	sst s8  }
0x11: {  	[smem:$0x3FAE] =	sst s9;
	s0 =	simm.s32 @!p0 $0x0  }
0x12: {  	s1 =	sld [smem:$0x3F94];
	s0 =	simm.s32 @p0 $0x1  }
0x13: {  	[smem:$0x3FAF] =	sst s0;
	s0 =	simm.s32 @!p1 $0x0  }
0x14: {  	s2 =	sld [smem:$0x3F93];
	s0 =	simm.s32 @p1 $0x1  }
0x15: {  	[smem:$0x3FB0] =	sst s0;
	s0 =	simm.s32 @!p2 $0x0  }
0x16: {  	s3 =	sld [smem:$0x3FDB];
	s0 =	simm.s32 @p2 $0x1  }
0x17: {  	s4 =	simm.s32 $0x1BF5;
	[smem:$0x3FB2] =	sst s0  }
0x18: {  	s0 =	sld [smem:$0x3F95];
	_ =	swait.ge [sflag:s4], $0x0  }
0x19: {  	s7 =	sld [smem:$0x3F96]  }
0x1a: {  	s8 =	sadd.s32 $0xFFFFE003, lr  }
0x1b: {  	s9 =	sadd.s32 $0xFFFFFEF7, lr;
	s5 =	simm.s32 $0xFFFFFFFF;
	p2 =	slt.u32 s8, $0xFFFFF086  }
0x1c: {  	p1 =	slt.u32 s9, $0xF7A;
	s5 =	simm.s32 @!p2 $0x0  }
0x1d: {  	s5 =	simm.s32 @p1 $0x1;
	p0 =	seq.s32 s7, s2  }
0x1e: {  	s7 =	smul.u32 @!p0 $0xF7A, s2;
	p2 =	seq.s32 @!p0 s5, $0x0  }
0x1f: {  	s9 =	smul.u32 $0xF7A, s1;
	s8 =	simm.s32 @!p0 $0x1BF5;
	p2 =	por !p2, p0  }
0x20: {  	[sflag:s8] =	ssyncset.s32 @!p0 $0xFFFFF086;
	s6 =	sadd.s32 @!p0 s3, s7;
	s7 =	simm.s32 @!p0 $0x108  }
0x21: {  	s3 =	sadd.s32 s3, s9;
	s6 =	sadd.s32 @!p0 $0x88, s6;
	s7 =	simm.s32 @p2 $0x1082  }
0x22: {  	[simem:s7], [sflag:s8] =	dma.local @!p0 [hbm:s6], $0xF7A  }
0x23: {  	s9 =	sor.u32 $0xD0000000, s2;
	s6 =	simm.s32 $0x108;
	_ =	swait.ge @!p0 [sflag:s8], $0x0  }
0x24: {  	s3 =	sadd.s32 $0x88, s3;
	s6 =	simm.s32 @!p1 $0x1082;
	[sflag:s4] =	ssyncset.s32 $0xFFFFF086  }
0x25: {  	[simem:s6], [sflag:s4] =	dma.local [hbm:s3], $0xF7A  }
0x26: {  	[smem:$0x3F96] =	sst s1;
	(tag) =	ssettag s2;
	_ =	strace s9  }
0x27: {  	s1 =	sld [smem:$0x3FA6]  }
0x28: {  	s2 =	sld [smem:$0x3FA7]  }
0x29: {  	s4 =	sld [smem:$0x3FA9]  }
0x2a: {  	p0 =	seq.s32 s5, $0x0;
	s5 =	sld [smem:$0x3FAA]  }
0x2b: {  	s6 =	sld [smem:$0x3FAB]  }
0x2c: {  	s7 =	sld [smem:$0x3FAC]  }
0x2d: {  	s3 =	simm.s32 $0x108;
	s8 =	sld [smem:$0x3FAD]  }
0x2e: {  	s3 =	simm.s32 @!p0 $0x1082;
	s9 =	sld [smem:$0x3FAE]  }
0x2f: {  	lr =	sadd.s32 s0, s3;
	s0 =	sld [smem:$0x3FA5]  }
0x30: {  	s3 =	sld [smem:$0x3FA8]  }
0x31: {  	[smem:$0x3FB1] =	sst s10  }
0x32: {  	s10 =	sld [smem:$0x3FAF];
	_ =	sdelay $0x3  }
0x33: {  	p0 =	seq.s32 s10, $0x1;
	s10 =	sld [smem:$0x3FB1];
	_ =	sdelay $0x3  }
0x34: {  	[smem:$0x3FB1] =	sst s10  }
0x35: {  	s10 =	sld [smem:$0x3FB0];
	_ =	sdelay $0x3  }
0x36: {  	p1 =	seq.s32 s10, $0x1;
	s10 =	sld [smem:$0x3FB1];
	_ =	sdelay $0x3  }
0x37: {  	[smem:$0x3FB1] =	sst s10  }
0x38: {  	s10 =	sld [smem:$0x3FB2]  }
0x39: {  	_ = 	snop;
	(pc) =	sbr.ind lr, $3  }
0x3a: {  	_ = 	snop  }
0x3b: {  	_ = 	snop  }
0x3c: {  	p2 =	seq.s32 s10, $0x1;
	s10 =	sld [smem:$0x3FB1]  }
0x3d: {  	_ =	shalt  }
0x3e: {  	_ =	shalt  }
0x3f: {  	_ =	shalt  }
0x40: {  	_ =	shalt  }
0x41: {  	_ =	shalt  }
0x42: {  	_ =	shalt  }
0x43: {  	_ =	shalt  }
0x44: {  	_ =	shalt  }
0x45: {  	_ =	shalt  }
0x46: {  	_ =	shalt  }
0x47: {  	_ =	shalt  }
0x48: {  	_ =	shalt  }
0x49: {  	_ =	shalt  }
0x4a: {  	_ =	shalt  }
0x4b: {  	_ =	shalt  }
0x4c: {  	_ =	shalt  }
0x4d: {  	_ =	shalt  }
0x4e: {  	_ =	shalt  }
0x4f: {  	_ =	shalt  }
0x50: {  	_ =	shalt  }
0x51: {  	_ =	shalt  }
0x52: {  	_ =	shalt  }
0x53: {  	_ =	shalt  }
0x54: {  	_ =	shalt  }
0x55: {  	_ =	shalt  }
0x56: {  	_ =	shalt  }
0x57: {  	_ =	shalt  }
0x58: {  	_ =	shalt  }
0x59: {  	_ =	shalt  }
0x5a: {  	_ =	shalt  }
0x5b: {  	_ =	shalt  }
0x5c: {  	_ =	shalt  }
0x5d: {  	_ =	shalt  }
0x5e: {  	_ =	shalt  }
0x5f: {  	_ =	shalt  }
0x60: {  	_ =	shalt  }
0x61: {  	_ =	shalt  }
0x62: {  	_ =	shalt  }
0x63: {  	_ =	shalt  }
0x64: {  	_ =	shalt  }
0x65: {  	_ =	shalt  }
0x66: {  	_ =	shalt  }
0x67: {  	_ =	shalt  }
0x68: {  	_ =	shalt  }
0x69: {  	_ =	shalt  }
0x6a: {  	_ =	shalt  }
0x6b: {  	_ =	shalt  }
0x6c: {  	_ =	shalt  }
0x6d: {  	_ =	shalt  }
0x6e: {  	_ =	shalt  }
0x6f: {  	_ =	shalt  }
0x70: {  	_ =	shalt  }
0x71: {  	_ =	shalt  }
0x72: {  	_ =	shalt  }
0x73: {  	_ =	shalt  }
0x74: {  	_ =	shalt  }
0x75: {  	_ =	shalt  }
0x76: {  	_ =	shalt  }
0x77: {  	_ =	shalt  }
0x78: {  	_ =	shalt  }
0x79: {  	_ =	shalt  }
0x7a: {  	_ =	shalt  }
0x7b: {  	_ =	shalt  }
0x7c: {  	_ =	shalt  }
0x7d: {  	_ =	shalt  }
0x7e: {  	_ =	shalt  }
0x7f: {  	_ =	shalt  }
0x80: {  	_ =	shalt  }
0x81: {  	_ =	shalt  }
0x82: {  	_ =	shalt  }
0x83: {  	_ =	shalt  }
0x84: {  	_ =	shalt  }
0x85: {  	_ =	shalt  }
0x86: {  	_ =	shalt  }
0x87: {  	_ =	shalt  }
.Lfunc_end0:
.L_simem_size_0:
called_computation_lowered:
.L_overlay_start_0:
0x88: {  	s2 =	sld [smem:$0x3FD9]  }
0x89: {  	s3 =	sld [smem:$0x3FFE];
	_ =	sdelay $0x1  }
0x8a: {  	s1 =	srdreg.scid  }
0x8b: {  	s0 =	sand.u32 $0x1, s1  }
0x8c: {  	s17 =	sshll.u32 s0, $0xA;
	s2 =	sadd.s32 s3, s2  }
0x8d: {  	s2 =	sadd.s32 s2, s17  }
0x8e: {  	[smem:$0x3FBD] =	sst s2  }
0x8f: {  	_ = 	snop  }
0x90: {  	s2 =	sld [smem:$0x3FC9];
	(tm) =	ssettm $0x1  }
0x91: {  	s18 =	sld [smem:$0x3FFB];
	_ =	sdelay $0x3  }
0x92: {  	_ =	strace s18  }
0x93: {  	s3 =	sld [smem:$0x3FFC];
	_ =	sdelay $0x3  }
0x94: {  	_ =	strace s3  }
0x95: {  	s3 =	sld [smem:$0x3FFD];
	_ =	sdelay $0x3  }
0x96: {  	_ =	strace s3  }
0x97: {  	_ =	strace $0x8FFFFFFF  }
0x98: {  	s19 =	sld [smem:$0x3FDB];
	_ =	sdelay $0x1  }
0x99: {  	s4 =	simm.s32 $_scs_section_size  }
0x9a: {  	s5 =	simm.s32 $_size__tile_overlayer_lowered;
	s6 =	simm.s32 $_tile_overlayer_lowered  }
0x9b: {  	s22 =	simm.s32 $0x1BFF;
	s21 =	sshll.u32 s6, $0x1;
	s3 =	sadd.s32 s4, s19  }
0x9c: {  	s7 =	simm.s32 $0x0;
	s20 =	sshll.u32 s5, $0x1;
	s5 =	sadd.s32 s21, s3  }
0x9d: {  	[timem:s7], [sflag:s22] =	dma.local [hbm:s5], s20  }
0x9e: {  	_ =	swait.ge [sflag:s22], s20  }
0x9f: {  	s4 =	ssub.s32 $0x0, s20;
	[sflag:s22] =	ssyncset.done $0x0  }
0xa0: {  	[sflag:s22] =	ssyncadd.s32 s4;
	_ =	sdelay $0x1  }
0xa1: {  	s23 =	simm.s32 $0x1B8B  }
0xa2: {  	_ =	swait.ge [sflag:s23], $0x1  }
0xa3: {  	[sflag:s23] =	ssyncset.done $0x0  }
0xa4: {  	s25 =	simm.s32 $0x1B8E;
	s24 =	sld [smem:$0x3FFE];
	[sflag:s23] =	ssyncadd.s32 $0xFFFFFFFF  }
0xa5: {  	s26 =	simm.s32 $execute0_lowered;
	[smem:$0x3FD2] =	sst s25  }
0xa6: {  	s5 =	sshll.u32 s26, $0x1;
	_ =	strace $0x80000046;
	[dreg:$0x1] =	wrdreg $0xFFFFFFFF  }
0xa7: {  	s28 =	simm.s32 $_size_execute0_lowered;
	s3 =	sadd.s32 s3, s5;
	[dreg:$0x0] =	wrdreg $0x0  }
0xa8: {  	s5 =	sshll.u32 s28, $0x1;
	[dreg:$0x2] =	wrdreg s3  }
0xa9: {  	[dreg:$0x3] =	wrdreg s5  }
0xaa: {  	[dreg:$0x4] =	wrdreg $0xC0  }
0xab: {  	_ =	task [dreg:s7], $0x5FFFF  }
0xac: {  	[dreg:$0x1] =	wrdreg $0xFFFFFFFF  }
0xad: {  	[dreg:$0x0] =	wrdreg $0x60  }
0xae: {  	[dreg:$0x2] =	wrdreg s2  }
0xaf: {  	[dreg:$0x3] =	wrdreg s24  }
0xb0: {  	[dreg:$0x4] =	wrdreg $0xA8000  }
0xb1: {  	[dreg:$0x5] =	wrdreg $0x9  }
0xb2: {  	_ =	task.clear_ibuf [dreg:s7], $0x6FFFF;
	_ =	strace $0x90000046  }
0xb3: {  	s29 =	simm.s32 $0x9;
	_ =	strace $0x80000048  }
0xb4: {  	_ =	swait.ge [sflag:s29], $0x1  }
0xb5: {  	[sflag:s29] =	ssyncadd.s32 $0xFFFFFFFF  }
0xb6: {  	_ =	strace $0x90000048  }
0xb7: {  	_ =	sfence  }
0xb8: {  	s30 =	sld [smem:$0x0];
	_ =	sdelay $0x2  }
0xb9: {  	s31 =	sshll.u32 s1, $0xD;
	s1 =	sshrl.u32 s1, $0x2  }
0xba: {  	s3 =	sand.u32 $0x4000, s31;
	s1 =	sadd.s32 s1, s30  }
0xbb: {  	s0 =	sor.u32 s3, s0;
	s1 =	sshll.u32 s1, $0x11  }
0xbc: {  	s0 =	sor.u32 s1, s0  }
0xbd: {  	s0 =	sadd.s32 $0x8F2B, s0  }
0xbe: {  	[sflag:s0] =	ssyncadd.remote.s32 $0x1  }
0xbf: {  	_ =	sfence.sel $0xFFFF  }
0xc0: {  	[dreg:$0x0] =	wrdreg $0xFFFFFFFF;
	(pc) =	sbr.abs _section_cstart, $3  }
0xc1: {  	[dreg:$0x1] =	wrdreg $0xFFFFFFFF  }
0xc2: {  	_ =	task.clear_ibuf [dreg:s7], $0x2FFFF;
	_ =	strace $0x9FFFFFFF  }
0xc3: {  	(tm) =	ssettm $0x7FFFFFFF  }
tec
execute0_lowered:
.L_overlay_start_1:
0x0: {  	(tag) =	ssettag $0x1  }
0x1: {  	s1 =	rddreg [dreg:$0x0]  }
0x2: {  	s5 =	rddreg [dreg:$0x1]  }
0x3: {  	s3 =	rddreg [dreg:$0x2];
	s2 =	srdreg.scid  }
0x4: {  	s0 =	rddreg [dreg:$0x3];
	s4 =	simm.s32 $0x0;
	s14 =	simm.s32 $0x1400  }
0x5: {  	s15 =	simm.s32 $0x2800;
	s16 =	simm.s32 $0x4;
	s17 =	simm.s32 $0x1  }
0x6: {  	s18 =	simm.s32 $0x80;
	s19 =	simm.s32 $0x6800;
	s20 =	simm.s32 $0x2  }
0x7: {  	s21 =	simm.s32 $0x3;
	s22 =	simm.s32 $0x2700;
	s6 =	sand.u32 $0x1, s2  }
0x8: {  	s23 =	simm.s32 $0x2780;
	s2 =	stileid.u32;
	s7 =	smul.u32 $0x140000, s6  }
0x9: {  	s25 =	simm.s32 $0x0;
	[smem:$0x7FF] =	sst s4;
	s9 =	smul.u32 $0x14000, s2  }
0xa: {  	s8 =	sshll.u32 s2, $0x1;
	_ =	strace $0x80000047;
	s29 =	smul.u32 $0x50000, s2  }
0xb: {  	s24 =	sshll.u32 s2, $0x6;
	s8 =	sor.u32 s6, s8;
	s6 =	ssub.s32 $0x2, s6  }
0xc: {  	s24 =	sor.u32 $0x1C04, s24;
	s8 =	smul.u32 $0x280, s8;
	s7 =	sadd.s32 s9, s7  }
0xd: {  	s30 =	sshrl.u32 s6, $0x1;
	s31 =	sshrl.u32 s29, $0x2;
	s7 =	sshrl.u32 s7, $0x3  }
0xe: {  	s11 =	ssub.s32 s6, s30;
	s8 =	sadd.s32 s8, s5;
	s10 =	sadd.s32 s7, s5  }
0xf: {  	s7 =	sadd.s32 s31, s3;
	s9 =	smax.u32 s11, $0x1;
	s5 =	sadd.s32 $0x2E00, s8  }
0x10: {  	s6 =	sadd.s32 $0x7E00, s8;
	s8 =	sadd.s32 $0xCE00, s10;
	s10 =	sadd.s32 $0x4000, s7  }
0x11: {  	v0 =	vimm.f32 $0.0e+00;
	s11 =	sadd.s32 $0x8000, s7;
	s12 =	sadd.s32 $0xC000, s7;
	s13 =	sadd.s32 $0x10000, s7  }
.LBB2_1:
0x12: {  	[tilespmem:s4], [sflag:$0x1] =	stream.linear.gather [hbm4b:s5+s4], $0x1400, $0x38;
	[tilespmem:$0x1E800] =	vst v63  }
0x13: {  	s26 =	simm.s32 $0x0;
	s28 =	simm.s32 $0x200  }
0x14: {  	[tilespmem:s14], [sflag:$0x1] =	stream.linear.gather [hbm4b:s6+s4], $0x1400, $0x38;
	[tilespmem:$0x1E800] =	vst v63  }
.LBB2_2:
0x15: {  	p0 =	sne.s32 s28, $0xFE00;
	[tilespmem:s26+$0x2870] =	vst v0  }
0x16: {  	[tilespmem:s26+$0x2800] =	vst v0  }
0x17: {  	[tilespmem:s26+$0x2810] =	vst v0  }
.Ltmp0:
0x18: {  	[tilespmem:s26+$0x2820] =	vst v0;
	(pc) =	sbr.rel @p0 .LBB2_2-.Ltmp0, $4  }
0x19: {  	[tilespmem:s26+$0x2830] =	vst v0  }
0x1a: {  	[tilespmem:s26+$0x2840] =	vst v0  }
0x1b: {  	[tilespmem:s26+$0x2850] =	vst v0  }
0x1c: {  	[tilespmem:s26+$0x2860] =	vst v0;
	s26 =	sshra.s32 s28, $0x2;
	s28 =	sadd.s32 $0x200, s28  }
0x1d: {  	[tilespmem:s26+$0x2870] =	vst v0  }
0x1e: {  	[tilespmem:s26+$0x2800] =	vst v0  }
0x1f: {  	[tilespmem:s26+$0x2810] =	vst v0  }
0x20: {  	[tilespmem:s26+$0x2820] =	vst v0  }
0x21: {  	[tilespmem:s26+$0x2830] =	vst v0  }
0x22: {  	[tilespmem:s26+$0x2840] =	vst v0  }
0x23: {  	[tilespmem:s26+$0x2850] =	vst v0  }
0x24: {  	[tilespmem:s26+$0x2860] =	vst v0  }
0x25: {  	[spmem:s7] =	stream.linear.scatter [tilespmem:s15], [sflag:$0x4], $0x4000, $0x38;
	[tilespmem:$0x1E800] =	vst v63  }
0x26: {  	_ =	swait.ge [sflag:s16], $0x4000  }
0x27: {  	[sflag:s16] =	ssyncset.done $0x0  }
0x28: {  	[sflag:s16] =	ssyncadd.s32 $0xFFFFC000  }
0x29: {  	[spmem:s10] =	stream.linear.scatter [tilespmem:s15], [sflag:$0x4], $0x4000, $0x38;
	[tilespmem:$0x1E800] =	vst v63  }
0x2a: {  	_ =	swait.ge [sflag:s16], $0x4000  }
0x2b: {  	[sflag:s16] =	ssyncset.done $0x0  }
0x2c: {  	[sflag:s16] =	ssyncadd.s32 $0xFFFFC000  }
0x2d: {  	[spmem:s11] =	stream.linear.scatter [tilespmem:s15], [sflag:$0x4], $0x4000, $0x38;
	[tilespmem:$0x1E800] =	vst v63  }
0x2e: {  	_ =	swait.ge [sflag:s16], $0x4000  }
0x2f: {  	[sflag:s16] =	ssyncset.done $0x0  }
0x30: {  	[sflag:s16] =	ssyncadd.s32 $0xFFFFC000  }
0x31: {  	[spmem:s12] =	stream.linear.scatter [tilespmem:s15], [sflag:$0x4], $0x4000, $0x38;
	[tilespmem:$0x1E800] =	vst v63  }
0x32: {  	_ =	swait.ge [sflag:s16], $0x4000  }
0x33: {  	[sflag:s16] =	ssyncset.done $0x0  }
0x34: {  	[sflag:s16] =	ssyncadd.s32 $0xFFFFC000  }
0x35: {  	[spmem:s13] =	stream.linear.scatter [tilespmem:s15], [sflag:$0x4], $0x4000, $0x38;
	[tilespmem:$0x1E800] =	vst v63  }
0x36: {  	_ =	swait.ge [sflag:s16], $0x4000  }
0x37: {  	[sflag:s16] =	ssyncset.done $0x0  }
0x38: {  	[sflag:s16] =	ssyncadd.s32 $0xFFFFC000  }
0x39: {  	_ =	swait.ge [sflag:s17], $0x1400  }
0x3a: {  	[sflag:s17] =	ssyncset.done $0x0  }
0x3b: {  	[sflag:s17] =	ssyncadd.s32 $0xFFFFEC00  }
0x3c: {  	_ =	swait.ge [sflag:s17], $0x1400  }
0x3d: {  	[sflag:s17] =	ssyncset.done $0x0  }
0x3e: {  	s31 =	simm.s32 $0x0;
	[sflag:s17] =	ssyncadd.s32 $0xFFFFEC00  }
0x3f: {  	[tilespmem:s15], [sflag:$0x2] =	stream.indirect.gather [hbm4b:s1+s18], $0x80, s31, s18, $0xb8;
	[tilespmem:$0x1E800] =	vst v63  }
0x40: {  	_ = 	snop  }
0x41: {  	[tilespmem:s19], [sflag:$0x3] =	stream.indirect.gather [hbm4b:s1+s18], $0x80, s18, s18, $0xb8;
	[tilespmem:$0x1E800] =	vst v63  }
0x42: {  	[bflag:$0x0] =	sbarrier.arrive $0xFFFF  }
0x43: {  	_ =	swait.ge [sflag:s20], $0x4000  }
0x44: {  	[sflag:s20] =	ssyncset.done $0x0  }
0x45: {  	s29 =	simm.s32 $0x1400;
	[sflag:s20] =	ssyncadd.s32 $0xFFFFC000  }
0x46: {  	[spmem:s3] =	stream.indirect.scatter.add.f32 [tilespmem:s15], [sflag:$0x4], $0x80, s29, s18, $0xb8;
	[tilespmem:$0x1E800] =	vst v63  }
0x47: {  	_ =	swait.ge [sflag:s16], $0x4000  }
0x48: {  	[sflag:s16] =	ssyncset.done $0x0  }
0x49: {  	s30 =	simm.s32 $0x100;
	[sflag:s16] =	ssyncadd.s32 $0xFFFFC000  }
0x4a: {  	[tilespmem:s15], [sflag:$0x2] =	stream.indirect.gather [hbm4b:s1+s18], $0x80, s30, s18, $0xb8;
	[tilespmem:$0x1E800] =	vst v63  }
0x4b: {  	_ =	swait.ge [sflag:s21], $0x4000  }
0x4c: {  	[sflag:s21] =	ssyncset.done $0x0  }
0x4d: {  	s31 =	simm.s32 $0x1480;
	[sflag:s21] =	ssyncadd.s32 $0xFFFFC000  }
0x4e: {  	[spmem:s3] =	stream.indirect.scatter.add.f32 [tilespmem:s19], [sflag:$0x4], $0x80, s31, s18, $0xb8;
	[tilespmem:$0x1E800] =	vst v63  }
0x4f: {  	_ =	swait.ge [sflag:s16], $0x4000  }
0x50: {  	[sflag:s16] =	ssyncset.done $0x0  }
0x51: {  	s26 =	simm.s32 $0x400;
	s28 =	simm.s32 $0x180;
	[sflag:s16] =	ssyncadd.s32 $0xFFFFC000  }
.LBB2_4:
0x52: {  	[tilespmem:s19], [sflag:$0x3] =	stream.indirect.gather [hbm4b:s1+s18], $0x80, s28, s18, $0xb8;
	[tilespmem:$0x1E800] =	vst v63  }
0x53: {  	s28 =	smov.u32 s26  }
0x54: {  	p0 =	sne.s32 s26, $0x4800;
	s26 =	sadd.s32 $0x400, s26;
	_ =	swait.ge [sflag:s20], $0x4000  }
0x55: {  	s28 =	sshra.s32 s28, $0x2;
	[sflag:s20] =	ssyncset.done $0x0  }
0x56: {  	s29 =	sadd.s32 $0x1400, s28;
	[sflag:s20] =	ssyncadd.s32 $0xFFFFC000  }
0x57: {  	[spmem:s3] =	stream.indirect.scatter.add.f32 [tilespmem:s15], [sflag:$0x4], $0x80, s29, s18, $0xb8;
	[tilespmem:$0x1E800] =	vst v63  }
0x58: {  	_ =	swait.ge [sflag:s16], $0x4000  }
0x59: {  	[sflag:s16] =	ssyncset.done $0x0  }
0x5a: {  	s29 =	sadd.s32 $0x100, s28;
	[sflag:s16] =	ssyncadd.s32 $0xFFFFC000  }
0x5b: {  	[tilespmem:s15], [sflag:$0x2] =	stream.indirect.gather [hbm4b:s1+s18], $0x80, s29, s18, $0xb8;
	[tilespmem:$0x1E800] =	vst v63  }
0x5c: {  	_ =	swait.ge [sflag:s21], $0x4000  }
0x5d: {  	[sflag:s21] =	ssyncset.done $0x0  }
.Ltmp1:
0x5e: {  	s29 =	sadd.s32 $0x1480, s28;
	[sflag:s21] =	ssyncadd.s32 $0xFFFFC000;
	(pc) =	sbr.rel @p0 .LBB2_4-.Ltmp1, $4  }
0x5f: {  	[spmem:s3] =	stream.indirect.scatter.add.f32 [tilespmem:s19], [sflag:$0x4], $0x80, s29, s18, $0xb8;
	[tilespmem:$0x1E800] =	vst v63  }
0x60: {  	_ =	swait.ge [sflag:s16], $0x4000  }
0x61: {  	[sflag:s16] =	ssyncset.done $0x0  }
0x62: {  	s28 =	sadd.s32 $0x180, s28;
	[sflag:s16] =	ssyncadd.s32 $0xFFFFC000  }
0x63: {  	[tilespmem:s19], [sflag:$0x3] =	stream.indirect.gather [hbm4b:s1+s18], $0x80, s28, s18, $0xb8;
	[tilespmem:$0x1E800] =	vst v63  }
0x64: {  	_ =	swait.ge [sflag:s20], $0x4000  }
0x65: {  	[sflag:s20] =	ssyncset.done $0x0  }
0x66: {  	[sflag:s20] =	ssyncadd.s32 $0xFFFFC000  }
0x67: {  	[spmem:s3] =	stream.indirect.scatter.add.f32 [tilespmem:s15], [sflag:$0x4], $0x80, s22, s18, $0xb8;
	[tilespmem:$0x1E800] =	vst v63  }
0x68: {  	_ =	swait.ge [sflag:s16], $0x4000  }
0x69: {  	[sflag:s16] =	ssyncset.done $0x0  }
0x6a: {  	[sflag:s16] =	ssyncadd.s32 $0xFFFFC000  }
0x6b: {  	_ =	swait.ge [sflag:s21], $0x4000  }
0x6c: {  	[sflag:s21] =	ssyncset.done $0x0  }
0x6d: {  	[sflag:s21] =	ssyncadd.s32 $0xFFFFC000  }
0x6e: {  	[spmem:s3] =	stream.indirect.scatter.add.f32 [tilespmem:s19], [sflag:$0x4], $0x80, s23, s18, $0xb8;
	[tilespmem:$0x1E800] =	vst v63  }
0x6f: {  	_ =	swait.ge [sflag:s16], $0x4000  }
0x70: {  	s25 =	sadd.s32 $0x1, s25;
	[sflag:s16] =	ssyncset.done $0x0  }
0x71: {  	p0 =	sne.s32 s25, s9;
	[sflag:s16] =	ssyncadd.s32 $0xFFFFC000  }
.Ltmp2:
0x72: {  	s26 =	sshrl.u32 s7, $0x3;
	[bflag:$0x0] =	sbarrier.arrive $0xFFFF;
	(pc) =	sbr.rel @p0 .LBB2_1-.Ltmp2, $4  }
0x73: {  	[hbm:s8], [sflag:s24] =	dma.local [spmem:s26], $0x2800  }
0x74: {  	_ =	swait.ge [sflag:s16], $0x2800  }
0x75: {  	[sflag:s16] =	ssyncset.done $0x0  }
0x76: {  	[sflag:s16] =	ssyncadd.s32 $0xFFFFD800  }
0x77: {  	_ =	sfence.sel $0x180000  }
0x78: {  	[bflag:$0x0] =	sbarrier.arrive $0xFFFF  }
0x79: {  	p0 =	sne.s32 s2, $0x0;
	_ =	strace $0x90000047  }
0x7a: {  	s0 =	sadd.s32 @!p0 $0x100000, s0;
	[bflag:$0x2] =	sbarrier.arrive $0xFFFF  }
0x7b: {  	[sflag:s0] =	ssyncadd.tile.s32 @!p0 $0x1;
	_ =	shalt  }
.Lfunc_end2:
_tile_overlayer_lowered:
.L_overlay_start_2:
0x7c: {  	(tag) =	ssettag $0x2  }
0x7d: {  	s0 =	rddreg [dreg:$0x0];
	s2 =	stileid.u32  }
0x7e: {  	s1 =	rddreg [dreg:$0x1];
	p0 =	sne.s32 s2, $0x0  }
0x7f: {  	s3 =	rddreg [dreg:$0x2];
	[bflag:$0x3] =	sbarrier.arrive $0xFFFF;
	s2 =	simm.s32 @!p0 $0x1C04  }
0x80: {  	[timem:s3], [sflag:s2] =	dma.local @!p0 [hbm:s0], s1  }
0x81: {  	s0 =	simm.s32 @!p0 $0x4  }
0x82: {  	_ =	swait.ge @!p0 [sflag:s0], s1  }
0x83: {  	s1 =	ssub.s32 @!p0 $0x0, s1;
	[sflag:s0] =	ssyncset.done @!p0 $0x0  }
0x84: {  	[sflag:s0] =	ssyncadd.s32 @!p0 s1  }
0x85: {  	[bflag:$0x3] =	sbarrier.arrive $0xFFFF  }
0x86: {  	_ =	shalt  }

</sc_bundles>
